<compile_context>
chip_gen: v7x
topology: tpu7x:2x2x1
jax: 0.10.2.dev20260603
libtpu: 0.0.44.dev20260713+nightly
codegen_flags: <defaults>
</compile_context>

<pallas_src>
import jax
import jax.numpy as jnp
from jax import lax
from jax.experimental import pallas as pl
from jax.experimental.pallas import tpu as pltpu
from jax.experimental.pallas import tpu_sc as plsc

N_DRUGS = 512
N_TARGETS = 256
N_EDGES = 16384
HID = 256


def _relu(x):
    return jnp.maximum(x, 0.0)


def _dot(a, b):
    return jnp.dot(a, b, preferred_element_type=jnp.float32)


def _encoders_body(df, dw1, db1, dw2, db2, tf, tw1, tb1, tw2, tb2,
                   de_out, te_out):
    h = _relu(_dot(df[...], dw1[...]) + db1[...])
    de_out[...] = _relu(_dot(h, dw2[...]) + db2[...])
    g = _relu(_dot(tf[...], tw1[...]) + tb1[...])
    te_out[...] = _relu(_dot(g, tw2[...]) + tb2[...])


def _run_encoders(df, dw1, db1, dw2, db2, tf, tw1, tb1, tw2, tb2):
    return pl.pallas_call(
        _encoders_body,
        out_shape=(
            jax.ShapeDtypeStruct((N_DRUGS, HID), jnp.float32),
            jax.ShapeDtypeStruct((N_TARGETS, HID), jnp.float32),
        ),
    )(df, dw1, db1, dw2, db2, tf, tw1, tb1, tw2, tb2)


_NC = 2
_NS = 16
_NW = _NC * _NS
_EPW = N_EDGES // _NW


def _paircount_body(src_hbm, dst_hbm, out_hbm, sidx, didx, acc):
    wid = lax.axis_index("s") * _NC + lax.axis_index("c")
    base = wid * _EPW
    pltpu.sync_copy(src_hbm.at[pl.ds(base, _EPW)], sidx)
    pltpu.sync_copy(dst_hbm.at[pl.ds(base, _EPW)], didx)

    zero16 = jnp.zeros((16,), jnp.float32)

    def zbody(i, carry):
        for u in range(16):
            acc[pl.ds(pl.multiple_of(i * 256 + u * 16, 16), 16)] = zero16
        return carry

    lax.fori_loop(0, N_TARGETS * N_TARGETS // 256, zbody, 0)

    one16 = jnp.ones((16,), jnp.float32)
    lanes = lax.broadcasted_iota(jnp.int32, (16,), 0)

    def ebody(g, carry):
        off = pl.multiple_of(g * 16, 16)
        s = sidx[pl.ds(off, 16)]
        d = didx[pl.ds(off, 16)]
        flat = s * N_TARGETS + d
        for k in range(16):
            plsc.addupdate_scatter(acc, [flat], one16, mask=lanes == k)
        return carry

    lax.fori_loop(0, _EPW // 16, ebody, 0)
    pltpu.sync_copy(acc, out_hbm.at[pl.ds(wid * (N_TARGETS * N_TARGETS),
                                          N_TARGETS * N_TARGETS)])


def _run_paircount(src_i, dst_i):
    mesh = plsc.VectorSubcoreMesh(core_axis_name="c", subcore_axis_name="s",
                                  num_cores=_NC, num_subcores=_NS)
    return pl.kernel(
        _paircount_body,
        out_type=jax.ShapeDtypeStruct((_NW * N_TARGETS * N_TARGETS,),
                                      jnp.float32),
        mesh=mesh,
        compiler_params=pltpu.CompilerParams(needs_layout_passes=False),
        scratch_types=[
            pltpu.VMEM((_EPW,), jnp.int32),
            pltpu.VMEM((_EPW,), jnp.int32),
            pltpu.VMEM((N_TARGETS * N_TARGETS,), jnp.float32),
        ],
    )(src_i, dst_i)


_ICHUNK = 32


def _message_body(demb, temb, cparts,
                  mWa0, mWb0, mb0, mWa1, mWb1, mb1, mWa2, mWb2, mb2,
                  pW1a, pW1b, pb1,
                  de_out, a_out, bp_out):
    NN = N_TARGETS * N_TARGETS
    c_flat = cparts[pl.ds(0, NN)]
    for w in range(1, _NW):
        c_flat = c_flat + cparts[pl.ds(w * NN, NN)]
    C = c_flat.reshape(N_TARGETS, N_TARGETS)
    counts = jnp.maximum(jnp.sum(C, axis=1, keepdims=True), 1.0)

    d_top = demb[0:N_TARGETS, :]
    Cb = C.astype(jnp.bfloat16)
    for (mWa, mWb, mb) in ((mWa0, mWb0, mb0), (mWa1, mWb1, mb1),
                           (mWa2, mWb2, mb2)):
        dp = (_dot(d_top, mWa[...])).astype(jnp.bfloat16)
        tpb = (_dot(temb[...], mWb[...]) + mb[...]).astype(jnp.bfloat16)
        chunks = []
        for i0 in range(0, N_TARGETS, _ICHUNK):
            t3 = _relu(dp[i0:i0 + _ICHUNK][:, None, :] + tpb[None, :, :])
            u = jnp.sum(t3 * Cb[i0:i0 + _ICHUNK][:, :, None], axis=1,
                        dtype=jnp.float32)
            chunks.append(u)
        U = jnp.concatenate(chunks, axis=0)
        d_top = d_top + U / counts

    de_out[0:N_TARGETS, :] = d_top
    de_out[N_TARGETS:N_DRUGS, :] = demb[N_TARGETS:N_DRUGS, :]
    demb_new = de_out[...]
    a_out[...] = _dot(demb_new, pW1a[...]) + pb1[...]
    bp_out[...] = _dot(temb[...], pW1b[...])


def _run_message(demb, temb, cparts, mws, pW1a, pW1b, pb1):
    return pl.pallas_call(
        _message_body,
        out_shape=(
            jax.ShapeDtypeStruct((N_DRUGS, HID), jnp.float32),
            jax.ShapeDtypeStruct((N_DRUGS, HID), jnp.float32),
            jax.ShapeDtypeStruct((N_TARGETS, HID), jnp.float32),
        ),
    )(demb, temb, cparts, *mws, pW1a, pW1b, pb1)


_BI = 64


def _pair_body(a, bp, w2, b2, w3, b3, out):
    h1 = _relu(a[...][:, None, :] + bp[...][None, :, :])
    h1r = h1.reshape(_BI * N_TARGETS, HID)
    h2 = _relu(_dot(h1r, w2[...]) + b2[...])
    h23 = h2.reshape(_BI, N_TARGETS, 64)
    out[...] = jnp.sum(h23 * w3[...], axis=2) + b3[0, 0]


def _run_pair(a, bp, pW2, pb2, pW3, pb3):
    grid = (N_DRUGS // _BI,)
    return pl.pallas_call(
        _pair_body,
        grid=grid,
        in_specs=[
            pl.BlockSpec((_BI, HID), lambda i: (i, 0)),
            pl.BlockSpec((N_TARGETS, HID), lambda i: (0, 0)),
            pl.BlockSpec((HID, 64), lambda i: (0, 0)),
            pl.BlockSpec((1, 64), lambda i: (0, 0)),
            pl.BlockSpec((1, 1, 64), lambda i: (0, 0, 0)),
            pl.BlockSpec((1, 1), lambda i: (0, 0)),
        ],
        out_specs=pl.BlockSpec((_BI, N_TARGETS), lambda i: (i, 0)),
        out_shape=jax.ShapeDtypeStruct((N_DRUGS, N_TARGETS), jnp.float32),
    )(a, bp, pW2, pb2, pW3.reshape(1, 1, 64), pb3)


def kernel(drug_features, target_features, edge_index,
           dW1, db1, dW2, db2, tW1, tb1, tW2, tb2,
           mW0, mb0, mW1, mb1, mW2, mb2,
           pW1, pb1, pW2, pb2, pW3, pb3):
    r2 = lambda b: b.reshape(1, -1)
    demb, temb = _run_encoders(
        drug_features, dW1, r2(db1), dW2, r2(db2),
        target_features, tW1, r2(tb1), tW2, r2(tb2))

    cparts = _run_paircount(edge_index[0], edge_index[1])
    mws = (mW0[:HID], mW0[HID:], r2(mb0),
           mW1[:HID], mW1[HID:], r2(mb1),
           mW2[:HID], mW2[HID:], r2(mb2))
    demb_new, a, bp = _run_message(
        demb, temb, cparts, mws, pW1[:HID], pW1[HID:], r2(pb1))

    return _run_pair(a, bp, pW2, r2(pb2), pW3, pb3.reshape(1, 1))

# --- scband reference (transcript-rebuilt; emitter-appended) ---
"""Pipeline reference for scband-drug-target-gnn-55104430408375 (READ-ONLY COPY).

The authoritative reference and input builder live on the scoring server;
editing this copy changes nothing except your own understanding.
"""

import jax, jax.numpy as jnp
import numpy as np

N_DRUGS = 512
N_TARGETS = 256
N_EDGES = 16384
DRUG_DIM = 1024
TARGET_DIM = 512
HID = 256


def _p(key, shape):
    return jax.random.normal(key, shape, dtype=jnp.float32) * 0.02


def setup_inputs(seed: int = 0) -> dict:
    key = jax.random.key(seed)
    ks = [jax.random.fold_in(key, i) for i in range(40)]
    inp = {}
    inp['drug_features'] = jax.random.normal(ks[0], (N_DRUGS, DRUG_DIM), dtype=jnp.float32)
    inp['target_features'] = jax.random.normal(ks[1], (N_TARGETS, TARGET_DIM), dtype=jnp.float32)
    inp['edge_index'] = jax.random.randint(ks[2], (2, N_EDGES), 0, N_TARGETS, dtype=jnp.int32)
    # drug encoder
    inp['dW1'] = _p(ks[3], (DRUG_DIM, HID)); inp['db1'] = jnp.zeros((HID,), jnp.float32)
    inp['dW2'] = _p(ks[4], (HID, HID));      inp['db2'] = jnp.zeros((HID,), jnp.float32)
    # target encoder
    inp['tW1'] = _p(ks[5], (TARGET_DIM, HID)); inp['tb1'] = jnp.zeros((HID,), jnp.float32)
    inp['tW2'] = _p(ks[6], (HID, HID));        inp['tb2'] = jnp.zeros((HID,), jnp.float32)
    # message layers (3)
    inp['mW0'] = _p(ks[7], (2 * HID, HID)); inp['mb0'] = jnp.zeros((HID,), jnp.float32)
    inp['mW1'] = _p(ks[8], (2 * HID, HID)); inp['mb1'] = jnp.zeros((HID,), jnp.float32)
    inp['mW2'] = _p(ks[9], (2 * HID, HID)); inp['mb2'] = jnp.zeros((HID,), jnp.float32)
    # predictor
    inp['pW1'] = _p(ks[10], (2 * HID, HID)); inp['pb1'] = jnp.zeros((HID,), jnp.float32)
    inp['pW2'] = _p(ks[11], (HID, 64));      inp['pb2'] = jnp.zeros((64,), jnp.float32)
    inp['pW3'] = _p(ks[12], (64, 1));        inp['pb3'] = jnp.zeros((1,), jnp.float32)
    return inp


def reference(drug_features, target_features, edge_index,
              dW1, db1, dW2, db2,
              tW1, tb1, tW2, tb2,
              mW0, mb0, mW1, mb1, mW2, mb2,
              pW1, pb1, pW2, pb2, pW3, pb3):
    relu = jax.nn.relu
    drug_emb = relu(relu(drug_features @ dW1 + db1) @ dW2 + db2)
    target_emb = relu(relu(target_features @ tW1 + tb1) @ tW2 + tb2)
    src = edge_index[0]
    dst = edge_index[1]
    for (mW, mb) in ((mW0, mb0), (mW1, mb1), (mW2, mb2)):
        messages = jnp.concatenate([drug_emb[src], target_emb[dst]], axis=-1)
        updates = relu(messages @ mW + mb)
        drug_updates = jnp.zeros_like(drug_emb).at[src].add(updates)
        counts = jnp.zeros((drug_emb.shape[0], 1), jnp.float32).at[src].add(
            jnp.ones((updates.shape[0], 1), jnp.float32))
        counts = jnp.clip(counts, 1.0, None)
        drug_emb = drug_emb + drug_updates / counts
    n_drugs = drug_emb.shape[0]
    n_targets = target_emb.shape[0]
    de = jnp.broadcast_to(drug_emb[:, None, :], (n_drugs, n_targets, drug_emb.shape[-1]))
    te = jnp.broadcast_to(target_emb[None, :, :], (n_drugs, n_targets, target_emb.shape[-1]))
    combined = jnp.concatenate([de, te], axis=-1)
    h = relu(combined @ pW1 + pb1)
    h = relu(h @ pW2 + pb2)
    scores = (h @ pW3 + pb3)[..., 0]
    return scores

if __name__ == "__main__":
    import jax
    _d = setup_inputs()
    print(jax.jit(kernel)(*tuple(_d.values())))

</pallas_src>

<mosaic_0001>
#map = affine_map<(d0, d1) -> (0)>
module attributes {stable_mosaic.version = 14 : i64} {
  func.func @_paircount_body(%arg0: i32, %arg1: i32, %arg2: memref<16384xi32, #tpu.memory_space<hbm>>, %arg3: memref<16384xi32, #tpu.memory_space<hbm>>, %arg4: memref<2097152xf32, #tpu.memory_space<hbm>>, %arg5: memref<512xi32, #tpu.memory_space<vmem>>, %arg6: memref<512xi32, #tpu.memory_space<vmem>>, %arg7: memref<65536xf32, #tpu.memory_space<vmem>>) attributes {dimension_semantics = [#tpu.dimension_semantics<core_parallel>, #tpu.dimension_semantics<subcore_parallel>], iteration_bounds = array<i64: 2, 16>, scalar_prefetch = 0 : i64, scratch_operands = 3 : i64, tpu.core_type = #tpu.core_type<sc_vector_subcore>, window_params = [{transform_indices = #map}, {transform_indices = #map}, {transform_indices = #map}]} {
    %mul3A = arith.constant 2 : i32
    %mul3A_0 = arith.muli %arg1, %mul3A : i32
    %add3A = arith.addi %mul3A_0, %arg0 : i32
    %mul3A_1 = arith.constant 512 : i32
    %mul3A_2 = arith.muli %add3A, %mul3A_1 : i32
    "tpu.region"() ({
      %run_scoped3A = tpu.sem_alloc : memref<!tpu.dma_semaphore, #tpu.memory_space<semaphore_mem>>
      %dma_start3A = tpu.memref_slice %arg2[%mul3A_2] : memref<16384xi32, #tpu.memory_space<hbm>> -> memref<512xi32, #tpu.memory_space<hbm>>
      %dma_start3A_19 = tpu.memref_slice %arg2[%mul3A_2] : memref<16384xi32, #tpu.memory_space<hbm>> -> memref<512xi32, #tpu.memory_space<hbm>>
      tpu.enqueue_dma source(%dma_start3A_19 : memref<512xi32, #tpu.memory_space<hbm>>) target(%arg5 : memref<512xi32, #tpu.memory_space<vmem>>) target_semaphore(%run_scoped3A : memref<!tpu.dma_semaphore, #tpu.memory_space<semaphore_mem>>)
      %dma_wait3A = tpu.memref_slice %arg2[%mul3A_2] : memref<16384xi32, #tpu.memory_space<hbm>> -> memref<512xi32, #tpu.memory_space<hbm>>
      %dma_wait3A_20 = tpu.memref_slice %arg2[%mul3A_2] : memref<16384xi32, #tpu.memory_space<hbm>> -> memref<512xi32, #tpu.memory_space<hbm>>
      tpu.wait_dma2 semaphore(%run_scoped3A : memref<!tpu.dma_semaphore, #tpu.memory_space<semaphore_mem>>) src(%dma_wait3A_20 : memref<512xi32, #tpu.memory_space<hbm>>) dst(%arg5 : memref<512xi32, #tpu.memory_space<vmem>>)
      tpu.yield
    }) : () -> ()
    "tpu.region"() ({
      %run_scoped3A = tpu.sem_alloc : memref<!tpu.dma_semaphore, #tpu.memory_space<semaphore_mem>>
      %dma_start3A = tpu.memref_slice %arg3[%mul3A_2] : memref<16384xi32, #tpu.memory_space<hbm>> -> memref<512xi32, #tpu.memory_space<hbm>>
      %dma_start3A_19 = tpu.memref_slice %arg3[%mul3A_2] : memref<16384xi32, #tpu.memory_space<hbm>> -> memref<512xi32, #tpu.memory_space<hbm>>
      tpu.enqueue_dma source(%dma_start3A_19 : memref<512xi32, #tpu.memory_space<hbm>>) target(%arg6 : memref<512xi32, #tpu.memory_space<vmem>>) target_semaphore(%run_scoped3A : memref<!tpu.dma_semaphore, #tpu.memory_space<semaphore_mem>>)
      %dma_wait3A = tpu.memref_slice %arg3[%mul3A_2] : memref<16384xi32, #tpu.memory_space<hbm>> -> memref<512xi32, #tpu.memory_space<hbm>>
      %dma_wait3A_20 = tpu.memref_slice %arg3[%mul3A_2] : memref<16384xi32, #tpu.memory_space<hbm>> -> memref<512xi32, #tpu.memory_space<hbm>>
      tpu.wait_dma2 semaphore(%run_scoped3A : memref<!tpu.dma_semaphore, #tpu.memory_space<semaphore_mem>>) src(%dma_wait3A_20 : memref<512xi32, #tpu.memory_space<hbm>>) dst(%arg6 : memref<512xi32, #tpu.memory_space<vmem>>)
      tpu.yield
    }) : () -> ()
    %broadcast_in_dim3A = arith.constant 0.000000e+00 : f32
    %broadcast_in_dim3A_3 = vector.broadcast %broadcast_in_dim3A : f32 to vector<16xf32>
    %scan3A = arith.constant 0 : i32
    %scan3A_4 = arith.constant 0 : i32
    %scan3A_5 = arith.constant 256 : i32
    %scan3A_6 = arith.addi %scan3A_4, %scan3A_5 : i32
    %scan3A_7 = arith.constant 1 : i32
    scf.for %scan3A_19 = %scan3A_4 to %scan3A_6 step %scan3A_7  : i32 {
      %mul3A_20 = arith.constant 256 : i32
      %mul3A_21 = arith.muli %scan3A_19, %mul3A_20 : i32
      %add3A_22 = arith.constant 0 : i32
      %add3A_23 = arith.addi %mul3A_21, %add3A_22 : i32
      %multiple_of3A = tpu.assume_multiple %add3A_23, 16 : i32
      %swap3A = arith.index_cast %multiple_of3A : i32 to index
      %swap3A_24 = tpu.vector_load %arg7[%swap3A] {strides = array<i32>} : memref<65536xf32, #tpu.memory_space<vmem>>, vector<16xf32>,
      tpu.vector_store %arg7[%swap3A], %broadcast_in_dim3A_3 {strides = array<i32>} : memref<65536xf32, #tpu.memory_space<vmem>>, vector<16xf32>,
      %mul3A_25 = arith.constant 256 : i32
      %mul3A_26 = arith.muli %scan3A_19, %mul3A_25 : i32
      %add3A_27 = arith.constant 16 : i32
      %add3A_28 = arith.addi %mul3A_26, %add3A_27 : i32
      %multiple_of3A_29 = tpu.assume_multiple %add3A_28, 16 : i32
      %swap3A_30 = arith.index_cast %multiple_of3A_29 : i32 to index
      %swap3A_31 = tpu.vector_load %arg7[%swap3A_30] {strides = array<i32>} : memref<65536xf32, #tpu.memory_space<vmem>>, vector<16xf32>,
      tpu.vector_store %arg7[%swap3A_30], %broadcast_in_dim3A_3 {strides = array<i32>} : memref<65536xf32, #tpu.memory_space<vmem>>, vector<16xf32>,
      %mul3A_32 = arith.constant 256 : i32
      %mul3A_33 = arith.muli %scan3A_19, %mul3A_32 : i32
      %add3A_34 = arith.constant 32 : i32
      %add3A_35 = arith.addi %mul3A_33, %add3A_34 : i32
      %multiple_of3A_36 = tpu.assume_multiple %add3A_35, 16 : i32
      %swap3A_37 = arith.index_cast %multiple_of3A_36 : i32 to index
      %swap3A_38 = tpu.vector_load %arg7[%swap3A_37] {strides = array<i32>} : memref<65536xf32, #tpu.memory_space<vmem>>, vector<16xf32>,
      tpu.vector_store %arg7[%swap3A_37], %broadcast_in_dim3A_3 {strides = array<i32>} : memref<65536xf32, #tpu.memory_space<vmem>>, vector<16xf32>,
      %mul3A_39 = arith.constant 256 : i32
      %mul3A_40 = arith.muli %scan3A_19, %mul3A_39 : i32
      %add3A_41 = arith.constant 48 : i32
      %add3A_42 = arith.addi %mul3A_40, %add3A_41 : i32
      %multiple_of3A_43 = tpu.assume_multiple %add3A_42, 16 : i32
      %swap3A_44 = arith.index_cast %multiple_of3A_43 : i32 to index
      %swap3A_45 = tpu.vector_load %arg7[%swap3A_44] {strides = array<i32>} : memref<65536xf32, #tpu.memory_space<vmem>>, vector<16xf32>,
      tpu.vector_store %arg7[%swap3A_44], %broadcast_in_dim3A_3 {strides = array<i32>} : memref<65536xf32, #tpu.memory_space<vmem>>, vector<16xf32>,
      %mul3A_46 = arith.constant 256 : i32
      %mul3A_47 = arith.muli %scan3A_19, %mul3A_46 : i32
      %add3A_48 = arith.constant 64 : i32
      %add3A_49 = arith.addi %mul3A_47, %add3A_48 : i32
      %multiple_of3A_50 = tpu.assume_multiple %add3A_49, 16 : i32
      %swap3A_51 = arith.index_cast %multiple_of3A_50 : i32 to index
      %swap3A_52 = tpu.vector_load %arg7[%swap3A_51] {strides = array<i32>} : memref<65536xf32, #tpu.memory_space<vmem>>, vector<16xf32>,
      tpu.vector_store %arg7[%swap3A_51], %broadcast_in_dim3A_3 {strides = array<i32>} : memref<65536xf32, #tpu.memory_space<vmem>>, vector<16xf32>,
      %mul3A_53 = arith.constant 256 : i32
      %mul3A_54 = arith.muli %scan3A_19, %mul3A_53 : i32
      %add3A_55 = arith.constant 80 : i32
      %add3A_56 = arith.addi %mul3A_54, %add3A_55 : i32
      %multiple_of3A_57 = tpu.assume_multiple %add3A_56, 16 : i32
      %swap3A_58 = arith.index_cast %multiple_of3A_57 : i32 to index
      %swap3A_59 = tpu.vector_load %arg7[%swap3A_58] {strides = array<i32>} : memref<65536xf32, #tpu.memory_space<vmem>>, vector<16xf32>,
      tpu.vector_store %arg7[%swap3A_58], %broadcast_in_dim3A_3 {strides = array<i32>} : memref<65536xf32, #tpu.memory_space<vmem>>, vector<16xf32>,
      %mul3A_60 = arith.constant 256 : i32
      %mul3A_61 = arith.muli %scan3A_19, %mul3A_60 : i32
      %add3A_62 = arith.constant 96 : i32
      %add3A_63 = arith.addi %mul3A_61, %add3A_62 : i32
      %multiple_of3A_64 = tpu.assume_multiple %add3A_63, 16 : i32
      %swap3A_65 = arith.index_cast %multiple_of3A_64 : i32 to index
      %swap3A_66 = tpu.vector_load %arg7[%swap3A_65] {strides = array<i32>} : memref<65536xf32, #tpu.memory_space<vmem>>, vector<16xf32>,
      tpu.vector_store %arg7[%swap3A_65], %broadcast_in_dim3A_3 {strides = array<i32>} : memref<65536xf32, #tpu.memory_space<vmem>>, vector<16xf32>,
      %mul3A_67 = arith.constant 256 : i32
      %mul3A_68 = arith.muli %scan3A_19, %mul3A_67 : i32
      %add3A_69 = arith.constant 112 : i32
      %add3A_70 = arith.addi %mul3A_68, %add3A_69 : i32
      %multiple_of3A_71 = tpu.assume_multiple %add3A_70, 16 : i32
      %swap3A_72 = arith.index_cast %multiple_of3A_71 : i32 to index
      %swap3A_73 = tpu.vector_load %arg7[%swap3A_72] {strides = array<i32>} : memref<65536xf32, #tpu.memory_space<vmem>>, vector<16xf32>,
      tpu.vector_store %arg7[%swap3A_72], %broadcast_in_dim3A_3 {strides = array<i32>} : memref<65536xf32, #tpu.memory_space<vmem>>, vector<16xf32>,
      %mul3A_74 = arith.constant 256 : i32
      %mul3A_75 = arith.muli %scan3A_19, %mul3A_74 : i32
      %add3A_76 = arith.constant 128 : i32
      %add3A_77 = arith.addi %mul3A_75, %add3A_76 : i32
      %multiple_of3A_78 = tpu.assume_multiple %add3A_77, 16 : i32
      %swap3A_79 = arith.index_cast %multiple_of3A_78 : i32 to index
      %swap3A_80 = tpu.vector_load %arg7[%swap3A_79] {strides = array<i32>} : memref<65536xf32, #tpu.memory_space<vmem>>, vector<16xf32>,
      tpu.vector_store %arg7[%swap3A_79], %broadcast_in_dim3A_3 {strides = array<i32>} : memref<65536xf32, #tpu.memory_space<vmem>>, vector<16xf32>,
      %mul3A_81 = arith.constant 256 : i32
      %mul3A_82 = arith.muli %scan3A_19, %mul3A_81 : i32
      %add3A_83 = arith.constant 144 : i32
      %add3A_84 = arith.addi %mul3A_82, %add3A_83 : i32
      %multiple_of3A_85 = tpu.assume_multiple %add3A_84, 16 : i32
      %swap3A_86 = arith.index_cast %multiple_of3A_85 : i32 to index
      %swap3A_87 = tpu.vector_load %arg7[%swap3A_86] {strides = array<i32>} : memref<65536xf32, #tpu.memory_space<vmem>>, vector<16xf32>,
      tpu.vector_store %arg7[%swap3A_86], %broadcast_in_dim3A_3 {strides = array<i32>} : memref<65536xf32, #tpu.memory_space<vmem>>, vector<16xf32>,
      %mul3A_88 = arith.constant 256 : i32
      %mul3A_89 = arith.muli %scan3A_19, %mul3A_88 : i32
      %add3A_90 = arith.constant 160 : i32
      %add3A_91 = arith.addi %mul3A_89, %add3A_90 : i32
      %multiple_of3A_92 = tpu.assume_multiple %add3A_91, 16 : i32
      %swap3A_93 = arith.index_cast %multiple_of3A_92 : i32 to index
      %swap3A_94 = tpu.vector_load %arg7[%swap3A_93] {strides = array<i32>} : memref<65536xf32, #tpu.memory_space<vmem>>, vector<16xf32>,
      tpu.vector_store %arg7[%swap3A_93], %broadcast_in_dim3A_3 {strides = array<i32>} : memref<65536xf32, #tpu.memory_space<vmem>>, vector<16xf32>,
      %mul3A_95 = arith.constant 256 : i32
      %mul3A_96 = arith.muli %scan3A_19, %mul3A_95 : i32
      %add3A_97 = arith.constant 176 : i32
      %add3A_98 = arith.addi %mul3A_96, %add3A_97 : i32
      %multiple_of3A_99 = tpu.assume_multiple %add3A_98, 16 : i32
      %swap3A_100 = arith.index_cast %multiple_of3A_99 : i32 to index
      %swap3A_101 = tpu.vector_load %arg7[%swap3A_100] {strides = array<i32>} : memref<65536xf32, #tpu.memory_space<vmem>>, vector<16xf32>,
      tpu.vector_store %arg7[%swap3A_100], %broadcast_in_dim3A_3 {strides = array<i32>} : memref<65536xf32, #tpu.memory_space<vmem>>, vector<16xf32>,
      %mul3A_102 = arith.constant 256 : i32
      %mul3A_103 = arith.muli %scan3A_19, %mul3A_102 : i32
      %add3A_104 = arith.constant 192 : i32
      %add3A_105 = arith.addi %mul3A_103, %add3A_104 : i32
      %multiple_of3A_106 = tpu.assume_multiple %add3A_105, 16 : i32
      %swap3A_107 = arith.index_cast %multiple_of3A_106 : i32 to index
      %swap3A_108 = tpu.vector_load %arg7[%swap3A_107] {strides = array<i32>} : memref<65536xf32, #tpu.memory_space<vmem>>, vector<16xf32>,
      tpu.vector_store %arg7[%swap3A_107], %broadcast_in_dim3A_3 {strides = array<i32>} : memref<65536xf32, #tpu.memory_space<vmem>>, vector<16xf32>,
      %mul3A_109 = arith.constant 256 : i32
      %mul3A_110 = arith.muli %scan3A_19, %mul3A_109 : i32
      %add3A_111 = arith.constant 208 : i32
      %add3A_112 = arith.addi %mul3A_110, %add3A_111 : i32
      %multiple_of3A_113 = tpu.assume_multiple %add3A_112, 16 : i32
      %swap3A_114 = arith.index_cast %multiple_of3A_113 : i32 to index
      %swap3A_115 = tpu.vector_load %arg7[%swap3A_114] {strides = array<i32>} : memref<65536xf32, #tpu.memory_space<vmem>>, vector<16xf32>,
      tpu.vector_store %arg7[%swap3A_114], %broadcast_in_dim3A_3 {strides = array<i32>} : memref<65536xf32, #tpu.memory_space<vmem>>, vector<16xf32>,
      %mul3A_116 = arith.constant 256 : i32
      %mul3A_117 = arith.muli %scan3A_19, %mul3A_116 : i32
      %add3A_118 = arith.constant 224 : i32
      %add3A_119 = arith.addi %mul3A_117, %add3A_118 : i32
      %multiple_of3A_120 = tpu.assume_multiple %add3A_119, 16 : i32
      %swap3A_121 = arith.index_cast %multiple_of3A_120 : i32 to index
      %swap3A_122 = tpu.vector_load %arg7[%swap3A_121] {strides = array<i32>} : memref<65536xf32, #tpu.memory_space<vmem>>, vector<16xf32>,
      tpu.vector_store %arg7[%swap3A_121], %broadcast_in_dim3A_3 {strides = array<i32>} : memref<65536xf32, #tpu.memory_space<vmem>>, vector<16xf32>,
      %mul3A_123 = arith.constant 256 : i32
      %mul3A_124 = arith.muli %scan3A_19, %mul3A_123 : i32
      %add3A_125 = arith.constant 240 : i32
      %add3A_126 = arith.addi %mul3A_124, %add3A_125 : i32
      %multiple_of3A_127 = tpu.assume_multiple %add3A_126, 16 : i32
      %swap3A_128 = arith.index_cast %multiple_of3A_127 : i32 to index
      %swap3A_129 = tpu.vector_load %arg7[%swap3A_128] {strides = array<i32>} : memref<65536xf32, #tpu.memory_space<vmem>>, vector<16xf32>,
      tpu.vector_store %arg7[%swap3A_128], %broadcast_in_dim3A_3 {strides = array<i32>} : memref<65536xf32, #tpu.memory_space<vmem>>, vector<16xf32>,
    }
    %scan3A_8 = arith.constant 256 : i32
    %broadcast_in_dim3A_9 = arith.constant 1.000000e+00 : f32
    %broadcast_in_dim3A_10 = vector.broadcast %broadcast_in_dim3A_9 : f32 to vector<16xf32>
    %iota3A = tpu.iota {dimensions = array<i32: 0>} : vector<16xi32>
    %scan3A_11 = arith.constant 0 : i32
    %scan3A_12 = arith.constant 0 : i32
    %scan3A_13 = arith.constant 32 : i32
    %scan3A_14 = arith.addi %scan3A_12, %scan3A_13 : i32
    %scan3A_15 = arith.constant 1 : i32
    scf.for %scan3A_19 = %scan3A_12 to %scan3A_14 step %scan3A_15  : i32 {
      %mul3A_20 = arith.constant 16 : i32
      %mul3A_21 = arith.muli %scan3A_19, %mul3A_20 : i32
      %multiple_of3A = tpu.assume_multiple %mul3A_21, 16 : i32
      %get3A = arith.index_cast %multiple_of3A : i32 to index
      %get3A_22 = tpu.vector_load %arg5[%get3A] {strides = array<i32>} : memref<512xi32, #tpu.memory_space<vmem>>, vector<16xi32>,
      %get3A_23 = arith.index_cast %multiple_of3A : i32 to index
      %get3A_24 = tpu.vector_load %arg6[%get3A_23] {strides = array<i32>} : memref<512xi32, #tpu.memory_space<vmem>>, vector<16xi32>,
      %mul3A_25 = arith.constant 256 : i32
      %mul3A_26 = vector.broadcast %mul3A_25 : i32 to vector<16xi32>
      %mul3A_27 = arith.muli %get3A_22, %mul3A_26 : vector<16xi32>
      %add3A_28 = arith.addi %mul3A_27, %get3A_24 : vector<16xi32>
      %eq3A = arith.constant 0 : i32
      %eq3A_29 = vector.broadcast %eq3A : i32 to vector<16xi32>
      %eq3A_30 = arith.cmpi eq, %iota3A, %eq3A_29 : vector<16xi32>
      tpu.vector_store_idx %arg7[%add3A_28], %broadcast_in_dim3A_10 masked %eq3A_30 {add = true} : memref<65536xf32, #tpu.memory_space<vmem>>[vector<16xi32>], vector<16xf32>, vector<16xi1>
      %eq3A_31 = arith.constant 1 : i32
      %eq3A_32 = vector.broadcast %eq3A_31 : i32 to vector<16xi32>
      %eq3A_33 = arith.cmpi eq, %iota3A, %eq3A_32 : vector<16xi32>
      tpu.vector_store_idx %arg7[%add3A_28], %broadcast_in_dim3A_10 masked %eq3A_33 {add = true} : memref<65536xf32, #tpu.memory_space<vmem>>[vector<16xi32>], vector<16xf32>, vector<16xi1>
      %eq3A_34 = arith.constant 2 : i32
      %eq3A_35 = vector.broadcast %eq3A_34 : i32 to vector<16xi32>
      %eq3A_36 = arith.cmpi eq, %iota3A, %eq3A_35 : vector<16xi32>
      tpu.vector_store_idx %arg7[%add3A_28], %broadcast_in_dim3A_10 masked %eq3A_36 {add = true} : memref<65536xf32, #tpu.memory_space<vmem>>[vector<16xi32>], vector<16xf32>, vector<16xi1>
      %eq3A_37 = arith.constant 3 : i32
      %eq3A_38 = vector.broadcast %eq3A_37 : i32 to vector<16xi32>
      %eq3A_39 = arith.cmpi eq, %iota3A, %eq3A_38 : vector<16xi32>
      tpu.vector_store_idx %arg7[%add3A_28], %broadcast_in_dim3A_10 masked %eq3A_39 {add = true} : memref<65536xf32, #tpu.memory_space<vmem>>[vector<16xi32>], vector<16xf32>, vector<16xi1>
      %eq3A_40 = arith.constant 4 : i32
      %eq3A_41 = vector.broadcast %eq3A_40 : i32 to vector<16xi32>
      %eq3A_42 = arith.cmpi eq, %iota3A, %eq3A_41 : vector<16xi32>
      tpu.vector_store_idx %arg7[%add3A_28], %broadcast_in_dim3A_10 masked %eq3A_42 {add = true} : memref<65536xf32, #tpu.memory_space<vmem>>[vector<16xi32>], vector<16xf32>, vector<16xi1>
      %eq3A_43 = arith.constant 5 : i32
      %eq3A_44 = vector.broadcast %eq3A_43 : i32 to vector<16xi32>
      %eq3A_45 = arith.cmpi eq, %iota3A, %eq3A_44 : vector<16xi32>
      tpu.vector_store_idx %arg7[%add3A_28], %broadcast_in_dim3A_10 masked %eq3A_45 {add = true} : memref<65536xf32, #tpu.memory_space<vmem>>[vector<16xi32>], vector<16xf32>, vector<16xi1>
      %eq3A_46 = arith.constant 6 : i32
      %eq3A_47 = vector.broadcast %eq3A_46 : i32 to vector<16xi32>
      %eq3A_48 = arith.cmpi eq, %iota3A, %eq3A_47 : vector<16xi32>
      tpu.vector_store_idx %arg7[%add3A_28], %broadcast_in_dim3A_10 masked %eq3A_48 {add = true} : memref<65536xf32, #tpu.memory_space<vmem>>[vector<16xi32>], vector<16xf32>, vector<16xi1>
      %eq3A_49 = arith.constant 7 : i32
      %eq3A_50 = vector.broadcast %eq3A_49 : i32 to vector<16xi32>
      %eq3A_51 = arith.cmpi eq, %iota3A, %eq3A_50 : vector<16xi32>
      tpu.vector_store_idx %arg7[%add3A_28], %broadcast_in_dim3A_10 masked %eq3A_51 {add = true} : memref<65536xf32, #tpu.memory_space<vmem>>[vector<16xi32>], vector<16xf32>, vector<16xi1>
      %eq3A_52 = arith.constant 8 : i32
      %eq3A_53 = vector.broadcast %eq3A_52 : i32 to vector<16xi32>
      %eq3A_54 = arith.cmpi eq, %iota3A, %eq3A_53 : vector<16xi32>
      tpu.vector_store_idx %arg7[%add3A_28], %broadcast_in_dim3A_10 masked %eq3A_54 {add = true} : memref<65536xf32, #tpu.memory_space<vmem>>[vector<16xi32>], vector<16xf32>, vector<16xi1>
      %eq3A_55 = arith.constant 9 : i32
      %eq3A_56 = vector.broadcast %eq3A_55 : i32 to vector<16xi32>
      %eq3A_57 = arith.cmpi eq, %iota3A, %eq3A_56 : vector<16xi32>
      tpu.vector_store_idx %arg7[%add3A_28], %broadcast_in_dim3A_10 masked %eq3A_57 {add = true} : memref<65536xf32, #tpu.memory_space<vmem>>[vector<16xi32>], vector<16xf32>, vector<16xi1>
      %eq3A_58 = arith.constant 10 : i32
      %eq3A_59 = vector.broadcast %eq3A_58 : i32 to vector<16xi32>
      %eq3A_60 = arith.cmpi eq, %iota3A, %eq3A_59 : vector<16xi32>
      tpu.vector_store_idx %arg7[%add3A_28], %broadcast_in_dim3A_10 masked %eq3A_60 {add = true} : memref<65536xf32, #tpu.memory_space<vmem>>[vector<16xi32>], vector<16xf32>, vector<16xi1>
      %eq3A_61 = arith.constant 11 : i32
      %eq3A_62 = vector.broadcast %eq3A_61 : i32 to vector<16xi32>
      %eq3A_63 = arith.cmpi eq, %iota3A, %eq3A_62 : vector<16xi32>
      tpu.vector_store_idx %arg7[%add3A_28], %broadcast_in_dim3A_10 masked %eq3A_63 {add = true} : memref<65536xf32, #tpu.memory_space<vmem>>[vector<16xi32>], vector<16xf32>, vector<16xi1>
      %eq3A_64 = arith.constant 12 : i32
      %eq3A_65 = vector.broadcast %eq3A_64 : i32 to vector<16xi32>
      %eq3A_66 = arith.cmpi eq, %iota3A, %eq3A_65 : vector<16xi32>
      tpu.vector_store_idx %arg7[%add3A_28], %broadcast_in_dim3A_10 masked %eq3A_66 {add = true} : memref<65536xf32, #tpu.memory_space<vmem>>[vector<16xi32>], vector<16xf32>, vector<16xi1>
      %eq3A_67 = arith.constant 13 : i32
      %eq3A_68 = vector.broadcast %eq3A_67 : i32 to vector<16xi32>
      %eq3A_69 = arith.cmpi eq, %iota3A, %eq3A_68 : vector<16xi32>
      tpu.vector_store_idx %arg7[%add3A_28], %broadcast_in_dim3A_10 masked %eq3A_69 {add = true} : memref<65536xf32, #tpu.memory_space<vmem>>[vector<16xi32>], vector<16xf32>, vector<16xi1>
      %eq3A_70 = arith.constant 14 : i32
      %eq3A_71 = vector.broadcast %eq3A_70 : i32 to vector<16xi32>
      %eq3A_72 = arith.cmpi eq, %iota3A, %eq3A_71 : vector<16xi32>
      tpu.vector_store_idx %arg7[%add3A_28], %broadcast_in_dim3A_10 masked %eq3A_72 {add = true} : memref<65536xf32, #tpu.memory_space<vmem>>[vector<16xi32>], vector<16xf32>, vector<16xi1>
      %eq3A_73 = arith.constant 15 : i32
      %eq3A_74 = vector.broadcast %eq3A_73 : i32 to vector<16xi32>
      %eq3A_75 = arith.cmpi eq, %iota3A, %eq3A_74 : vector<16xi32>
      tpu.vector_store_idx %arg7[%add3A_28], %broadcast_in_dim3A_10 masked %eq3A_75 {add = true} : memref<65536xf32, #tpu.memory_space<vmem>>[vector<16xi32>], vector<16xf32>, vector<16xi1>
    }
    %scan3A_16 = arith.constant 32 : i32
    %mul3A_17 = arith.constant 65536 : i32
    %mul3A_18 = arith.muli %add3A, %mul3A_17 : i32
    "tpu.region"() ({
      %run_scoped3A = tpu.sem_alloc : memref<!tpu.dma_semaphore, #tpu.memory_space<semaphore_mem>>
      %dma_start3A = tpu.memref_slice %arg4[%mul3A_18] : memref<2097152xf32, #tpu.memory_space<hbm>> -> memref<65536xf32, #tpu.memory_space<hbm>>
      %dma_start3A_19 = tpu.memref_slice %arg4[%mul3A_18] : memref<2097152xf32, #tpu.memory_space<hbm>> -> memref<65536xf32, #tpu.memory_space<hbm>>
      tpu.enqueue_dma source(%arg7 : memref<65536xf32, #tpu.memory_space<vmem>>) target(%dma_start3A_19 : memref<65536xf32, #tpu.memory_space<hbm>>) target_semaphore(%run_scoped3A : memref<!tpu.dma_semaphore, #tpu.memory_space<semaphore_mem>>)
      %dma_wait3A = tpu.memref_slice %arg4[%mul3A_18] : memref<2097152xf32, #tpu.memory_space<hbm>> -> memref<65536xf32, #tpu.memory_space<hbm>>
      %dma_wait3A_20 = tpu.memref_slice %arg4[%mul3A_18] : memref<2097152xf32, #tpu.memory_space<hbm>> -> memref<65536xf32, #tpu.memory_space<hbm>>
      tpu.wait_dma2 semaphore(%run_scoped3A : memref<!tpu.dma_semaphore, #tpu.memory_space<semaphore_mem>>) src(%arg7 : memref<65536xf32, #tpu.memory_space<vmem>>) dst(%dma_wait3A_20 : memref<65536xf32, #tpu.memory_space<hbm>>)
      tpu.yield
    }) : () -> ()
    return
  }
}

module attributes {stable_mosaic.version = 14 : i64} {
  func.func @_encoders_body(%arg0: memref<512x1024xf32, #tpu.memory_space<vmem>>, %arg1: memref<1024x256xf32, #tpu.memory_space<vmem>>, %arg2: memref<1x256xf32, #tpu.memory_space<vmem>>, %arg3: memref<256x256xf32, #tpu.memory_space<vmem>>, %arg4: memref<1x256xf32, #tpu.memory_space<vmem>>, %arg5: memref<256x512xf32, #tpu.memory_space<vmem>>, %arg6: memref<512x256xf32, #tpu.memory_space<vmem>>, %arg7: memref<1x256xf32, #tpu.memory_space<vmem>>, %arg8: memref<256x256xf32, #tpu.memory_space<vmem>>, %arg9: memref<1x256xf32, #tpu.memory_space<vmem>>, %arg10: memref<512x256xf32, #tpu.memory_space<vmem>>, %arg11: memref<256x256xf32, #tpu.memory_space<vmem>>) attributes {dimension_semantics = [], scalar_prefetch = 0 : i64, scratch_operands = 0 : i64, tpu.core_type = #tpu.core_type<tc>} {
    %get3A = arith.constant 0 : index
    %get3A_0 = arith.constant 0 : index
    %get3A_1 = vector.load %arg0[%get3A, %get3A_0] : memref<512x1024xf32, #tpu.memory_space<vmem>>, vector<512x1024xf32>
    %get3A_2 = arith.constant 0 : index
    %get3A_3 = arith.constant 0 : index
    %get3A_4 = vector.load %arg1[%get3A_2, %get3A_3] : memref<1024x256xf32, #tpu.memory_space<vmem>>, vector<1024x256xf32>
    %dot_general3A = arith.constant dense<0.000000e+00> : vector<512x256xf32>
    %dot_general3A_5 = tpu.matmul %get3A_1, %get3A_4, %dot_general3A {dimension_numbers = #tpu.dot_dimension_numbers<[1], [0], [0], [1], [0, 0, 1, 1], [], []>, transpose_lhs_hint = false} : vector<512x1024xf32>, vector<1024x256xf32>, vector<512x256xf32> -> vector<512x256xf32>
    %get3A_6 = arith.constant 0 : index
    %get3A_7 = arith.constant 0 : index
    %get3A_8 = vector.load %arg2[%get3A_6, %get3A_7] : memref<1x256xf32, #tpu.memory_space<vmem>>, vector<1x256xf32>
    %add3A = vector.broadcast %get3A_8 : vector<1x256xf32> to vector<512x256xf32>
    %add3A_9 = arith.addf %dot_general3A_5, %add3A : vector<512x256xf32>
    %max3A = arith.constant 0.000000e+00 : f32
    %max3A_10 = vector.broadcast %max3A : f32 to vector<512x256xf32>
    %max3A_11 = arith.maximumf %add3A_9, %max3A_10 : vector<512x256xf32>
    %get3A_12 = arith.constant 0 : index
    %get3A_13 = arith.constant 0 : index
    %get3A_14 = vector.load %arg3[%get3A_12, %get3A_13] : memref<256x256xf32, #tpu.memory_space<vmem>>, vector<256x256xf32>
    %dot_general3A_15 = arith.constant dense<0.000000e+00> : vector<512x256xf32>
    %dot_general3A_16 = tpu.matmul %max3A_11, %get3A_14, %dot_general3A_15 {dimension_numbers = #tpu.dot_dimension_numbers<[1], [0], [0], [1], [0, 0, 1, 1], [], []>, transpose_lhs_hint = false} : vector<512x256xf32>, vector<256x256xf32>, vector<512x256xf32> -> vector<512x256xf32>
    %get3A_17 = arith.constant 0 : index
    %get3A_18 = arith.constant 0 : index
    %get3A_19 = vector.load %arg4[%get3A_17, %get3A_18] : memref<1x256xf32, #tpu.memory_space<vmem>>, vector<1x256xf32>
    %add3A_20 = vector.broadcast %get3A_19 : vector<1x256xf32> to vector<512x256xf32>
    %add3A_21 = arith.addf %dot_general3A_16, %add3A_20 : vector<512x256xf32>
    %max3A_22 = arith.constant 0.000000e+00 : f32
    %max3A_23 = vector.broadcast %max3A_22 : f32 to vector<512x256xf32>
    %max3A_24 = arith.maximumf %add3A_21, %max3A_23 : vector<512x256xf32>
    %swap3A = arith.constant 0 : index
    %swap3A_25 = arith.constant 0 : index
    %swap3A_26 = vector.load %arg10[%swap3A, %swap3A_25] : memref<512x256xf32, #tpu.memory_space<vmem>>, vector<512x256xf32>
    tpu.vector_store %arg10[%swap3A, %swap3A_25], %max3A_24 {strides = array<i32>} : memref<512x256xf32, #tpu.memory_space<vmem>>, vector<512x256xf32>,
    %get3A_27 = arith.constant 0 : index
    %get3A_28 = arith.constant 0 : index
    %get3A_29 = vector.load %arg5[%get3A_27, %get3A_28] : memref<256x512xf32, #tpu.memory_space<vmem>>, vector<256x512xf32>
    %get3A_30 = arith.constant 0 : index
    %get3A_31 = arith.constant 0 : index
    %get3A_32 = vector.load %arg6[%get3A_30, %get3A_31] : memref<512x256xf32, #tpu.memory_space<vmem>>, vector<512x256xf32>
    %dot_general3A_33 = arith.constant dense<0.000000e+00> : vector<256x256xf32>
    %dot_general3A_34 = tpu.matmul %get3A_29, %get3A_32, %dot_general3A_33 {dimension_numbers = #tpu.dot_dimension_numbers<[1], [0], [0], [1], [0, 0, 1, 1], [], []>, transpose_lhs_hint = false} : vector<256x512xf32>, vector<512x256xf32>, vector<256x256xf32> -> vector<256x256xf32>
    %get3A_35 = arith.constant 0 : index
    %get3A_36 = arith.constant 0 : index
    %get3A_37 = vector.load %arg7[%get3A_35, %get3A_36] : memref<1x256xf32, #tpu.memory_space<vmem>>, vector<1x256xf32>
    %add3A_38 = vector.broadcast %get3A_37 : vector<1x256xf32> to vector<256x256xf32>
    %add3A_39 = arith.addf %dot_general3A_34, %add3A_38 : vector<256x256xf32>
    %max3A_40 = arith.constant 0.000000e+00 : f32
    %max3A_41 = vector.broadcast %max3A_40 : f32 to vector<256x256xf32>
    %max3A_42 = arith.maximumf %add3A_39, %max3A_41 : vector<256x256xf32>
    %get3A_43 = arith.constant 0 : index
    %get3A_44 = arith.constant 0 : index
    %get3A_45 = vector.load %arg8[%get3A_43, %get3A_44] : memref<256x256xf32, #tpu.memory_space<vmem>>, vector<256x256xf32>
    %dot_general3A_46 = arith.constant dense<0.000000e+00> : vector<256x256xf32>
    %dot_general3A_47 = tpu.matmul %max3A_42, %get3A_45, %dot_general3A_46 {dimension_numbers = #tpu.dot_dimension_numbers<[1], [0], [0], [1], [0, 0, 1, 1], [], []>, transpose_lhs_hint = false} : vector<256x256xf32>, vector<256x256xf32>, vector<256x256xf32> -> vector<256x256xf32>
    %get3A_48 = arith.constant 0 : index
    %get3A_49 = arith.constant 0 : index
    %get3A_50 = vector.load %arg9[%get3A_48, %get3A_49] : memref<1x256xf32, #tpu.memory_space<vmem>>, vector<1x256xf32>
    %add3A_51 = vector.broadcast %get3A_50 : vector<1x256xf32> to vector<256x256xf32>
    %add3A_52 = arith.addf %dot_general3A_47, %add3A_51 : vector<256x256xf32>
    %max3A_53 = arith.constant 0.000000e+00 : f32
    %max3A_54 = vector.broadcast %max3A_53 : f32 to vector<256x256xf32>
    %max3A_55 = arith.maximumf %add3A_52, %max3A_54 : vector<256x256xf32>
    %swap3A_56 = arith.constant 0 : index
    %swap3A_57 = arith.constant 0 : index
    %swap3A_58 = vector.load %arg11[%swap3A_56, %swap3A_57] : memref<256x256xf32, #tpu.memory_space<vmem>>, vector<256x256xf32>
    tpu.vector_store %arg11[%swap3A_56, %swap3A_57], %max3A_55 {strides = array<i32>} : memref<256x256xf32, #tpu.memory_space<vmem>>, vector<256x256xf32>,
    return
  }
}

module attributes {stable_mosaic.version = 14 : i64} {
  func.func @_pair_body(%arg0: i32, %arg1: memref<64x256xf32, #tpu.memory_space<vmem>>, %arg2: memref<256x256xf32, #tpu.memory_space<vmem>>, %arg3: memref<256x64xf32, #tpu.memory_space<vmem>>, %arg4: memref<1x64xf32, #tpu.memory_space<vmem>>, %arg5: memref<1x1x64xf32, #tpu.memory_space<vmem>>, %arg6: memref<1x1xf32, #tpu.memory_space<vmem>>, %arg7: memref<64x256xf32, #tpu.memory_space<vmem>>) attributes {dimension_semantics = [#tpu.dimension_semantics<arbitrary>], iteration_bounds = array<i64: 8>, scalar_prefetch = 0 : i64, scratch_operands = 0 : i64, tpu.core_type = #tpu.core_type<tc>, window_params = [{transform_indices = @transform_0, window_bounds = array<i64: 64, 256>}, {pipeline_mode = #tpu.pipeline_mode<synchronous>, transform_indices = @transform_1, window_bounds = array<i64: 256, 256>}, {pipeline_mode = #tpu.pipeline_mode<synchronous>, transform_indices = @transform_2, window_bounds = array<i64: 256, 64>}, {pipeline_mode = #tpu.pipeline_mode<synchronous>, transform_indices = @transform_3, window_bounds = array<i64: 1, 64>}, {pipeline_mode = #tpu.pipeline_mode<synchronous>, transform_indices = @transform_4, window_bounds = array<i64: 1, 1, 64>}, {pipeline_mode = #tpu.pipeline_mode<synchronous>, transform_indices = @transform_5, window_bounds = array<i64: 1, 1>}, {transform_indices = @transform_6, window_bounds = array<i64: 64, 256>}]} {
    %get3A = arith.constant 0 : index
    %get3A_0 = arith.constant 0 : index
    %get3A_1 = vector.load %arg1[%get3A, %get3A_0] : memref<64x256xf32, #tpu.memory_space<vmem>>, vector<64x256xf32>
    %broadcast_in_dim3A = vector.shape_cast %get3A_1 : vector<64x256xf32> to vector<64x1x256xf32>
    %get3A_2 = arith.constant 0 : index
    %get3A_3 = arith.constant 0 : index
    %get3A_4 = vector.load %arg2[%get3A_2, %get3A_3] : memref<256x256xf32, #tpu.memory_space<vmem>>, vector<256x256xf32>
    %broadcast_in_dim3A_5 = vector.shape_cast %get3A_4 : vector<256x256xf32> to vector<1x256x256xf32>
    %add3A = vector.broadcast %broadcast_in_dim3A : vector<64x1x256xf32> to vector<64x256x256xf32>
    %add3A_6 = vector.broadcast %broadcast_in_dim3A_5 : vector<1x256x256xf32> to vector<64x256x256xf32>
    %add3A_7 = arith.addf %add3A, %add3A_6 : vector<64x256x256xf32>
    %max3A = arith.constant 0.000000e+00 : f32
    %max3A_8 = vector.broadcast %max3A : f32 to vector<64x256x256xf32>
    %max3A_9 = arith.maximumf %add3A_7, %max3A_8 : vector<64x256x256xf32>
    %reshape3A = vector.shape_cast %max3A_9 : vector<64x256x256xf32> to vector<16384x256xf32>
    %get3A_10 = arith.constant 0 : index
    %get3A_11 = arith.constant 0 : index
    %get3A_12 = vector.load %arg3[%get3A_10, %get3A_11] : memref<256x64xf32, #tpu.memory_space<vmem>>, vector<256x64xf32>
    %dot_general3A = arith.constant dense<0.000000e+00> : vector<16384x64xf32>
    %dot_general3A_13 = tpu.matmul %reshape3A, %get3A_12, %dot_general3A {dimension_numbers = #tpu.dot_dimension_numbers<[1], [0], [0], [1], [0, 0, 1, 1], [], []>, transpose_lhs_hint = false} : vector<16384x256xf32>, vector<256x64xf32>, vector<16384x64xf32> -> vector<16384x64xf32>
    %get3A_14 = arith.constant 0 : index
    %get3A_15 = arith.constant 0 : index
    %get3A_16 = vector.load %arg4[%get3A_14, %get3A_15] : memref<1x64xf32, #tpu.memory_space<vmem>>, vector<1x64xf32>
    %add3A_17 = vector.broadcast %get3A_16 : vector<1x64xf32> to vector<16384x64xf32>
    %add3A_18 = arith.addf %dot_general3A_13, %add3A_17 : vector<16384x64xf32>
    %max3A_19 = arith.constant 0.000000e+00 : f32
    %max3A_20 = vector.broadcast %max3A_19 : f32 to vector<16384x64xf32>
    %max3A_21 = arith.maximumf %add3A_18, %max3A_20 : vector<16384x64xf32>
    %reshape3A_22 = vector.shape_cast %max3A_21 : vector<16384x64xf32> to vector<64x256x64xf32>
    %get3A_23 = arith.constant 0 : index
    %get3A_24 = arith.constant 0 : index
    %get3A_25 = arith.constant 0 : index
    %get3A_26 = vector.load %arg5[%get3A_23, %get3A_24, %get3A_25] : memref<1x1x64xf32, #tpu.memory_space<vmem>>, vector<1x1x64xf32>
    %mul3A = vector.broadcast %get3A_26 : vector<1x1x64xf32> to vector<64x256x64xf32>
    %mul3A_27 = arith.mulf %reshape3A_22, %mul3A : vector<64x256x64xf32>
    %reduce_sum3A = arith.constant dense<0.000000e+00> : vector<64x256xf32>
    %reduce_sum3A_28 = vector.multi_reduction <add>, %mul3A_27, %reduce_sum3A [2] : vector<64x256x64xf32> to vector<64x256xf32>
    %get3A_29 = arith.constant 0 : index
    %get3A_30 = arith.constant 0 : index
    %get3A_31 = vector.load %arg6[%get3A_29, %get3A_30] : memref<1x1xf32, #tpu.memory_space<vmem>>, vector<1x1xf32>
    %get3A_32 = vector.extract %get3A_31[0, 0] : f32 from vector<1x1xf32>
    %add3A_33 = vector.broadcast %get3A_32 : f32 to vector<64x256xf32>
    %add3A_34 = arith.addf %reduce_sum3A_28, %add3A_33 : vector<64x256xf32>
    %swap3A = arith.constant 0 : index
    %swap3A_35 = arith.constant 0 : index
    %swap3A_36 = vector.load %arg7[%swap3A, %swap3A_35] : memref<64x256xf32, #tpu.memory_space<vmem>>, vector<64x256xf32>
    tpu.vector_store %arg7[%swap3A, %swap3A_35], %add3A_34 {strides = array<i32>} : memref<64x256xf32, #tpu.memory_space<vmem>>, vector<64x256xf32>,
    return
  }
  func.func @transform_0(%arg0: i32) -> (i32, i32) {
    %c0_i32 = arith.constant 0 : i32
    %c0_i32_0 = arith.constant 0 : i32
    return %arg0, %c0_i32 : i32, i32
  }
  func.func @transform_1(%arg0: i32) -> (i32, i32) {
    %c0_i32 = arith.constant 0 : i32
    %c0_i32_0 = arith.constant 0 : i32
    %c0_i32_1 = arith.constant 0 : i32
    return %c0_i32, %c0_i32_0 : i32, i32
  }
  func.func @transform_2(%arg0: i32) -> (i32, i32) {
    %c0_i32 = arith.constant 0 : i32
    %c0_i32_0 = arith.constant 0 : i32
    %c0_i32_1 = arith.constant 0 : i32
    return %c0_i32, %c0_i32_0 : i32, i32
  }
  func.func @transform_3(%arg0: i32) -> (i32, i32) {
    %c0_i32 = arith.constant 0 : i32
    %c0_i32_0 = arith.constant 0 : i32
    %c0_i32_1 = arith.constant 0 : i32
    return %c0_i32, %c0_i32_0 : i32, i32
  }
  func.func @transform_4(%arg0: i32) -> (i32, i32, i32) {
    %c0_i32 = arith.constant 0 : i32
    %c0_i32_0 = arith.constant 0 : i32
    %c0_i32_1 = arith.constant 0 : i32
    %c0_i32_2 = arith.constant 0 : i32
    return %c0_i32, %c0_i32_0, %c0_i32_1 : i32, i32, i32
  }
  func.func @transform_5(%arg0: i32) -> (i32, i32) {
    %c0_i32 = arith.constant 0 : i32
    %c0_i32_0 = arith.constant 0 : i32
    %c0_i32_1 = arith.constant 0 : i32
    return %c0_i32, %c0_i32_0 : i32, i32
  }
  func.func @transform_6(%arg0: i32) -> (i32, i32) {
    %c0_i32 = arith.constant 0 : i32
    %c0_i32_0 = arith.constant 0 : i32
    return %arg0, %c0_i32 : i32, i32
  }
}

module attributes {stable_mosaic.version = 14 : i64} {
  func.func @_message_body(%arg0: memref<512x256xf32, #tpu.memory_space<vmem>>, %arg1: memref<256x256xf32, #tpu.memory_space<vmem>>, %arg2: memref<2097152xf32, #tpu.memory_space<vmem>>, %arg3: memref<256x256xf32, #tpu.memory_space<vmem>>, %arg4: memref<256x256xf32, #tpu.memory_space<vmem>>, %arg5: memref<1x256xf32, #tpu.memory_space<vmem>>, %arg6: memref<256x256xf32, #tpu.memory_space<vmem>>, %arg7: memref<256x256xf32, #tpu.memory_space<vmem>>, %arg8: memref<1x256xf32, #tpu.memory_space<vmem>>, %arg9: memref<256x256xf32, #tpu.memory_space<vmem>>, %arg10: memref<256x256xf32, #tpu.memory_space<vmem>>, %arg11: memref<1x256xf32, #tpu.memory_space<vmem>>, %arg12: memref<256x256xf32, #tpu.memory_space<vmem>>, %arg13: memref<256x256xf32, #tpu.memory_space<vmem>>, %arg14: memref<1x256xf32, #tpu.memory_space<vmem>>, %arg15: memref<512x256xf32, #tpu.memory_space<vmem>>, %arg16: memref<512x256xf32, #tpu.memory_space<vmem>>, %arg17: memref<256x256xf32, #tpu.memory_space<vmem>>) attributes {dimension_semantics = [], scalar_prefetch = 0 : i64, scratch_operands = 0 : i64, tpu.core_type = #tpu.core_type<tc>} {
    %get3A = arith.constant 0 : index
    %get3A_0 = vector.load %arg2[%get3A] : memref<2097152xf32, #tpu.memory_space<vmem>>, vector<65536xf32>
    %get3A_1 = arith.constant 65536 : index
    %get3A_2 = vector.load %arg2[%get3A_1] : memref<2097152xf32, #tpu.memory_space<vmem>>, vector<65536xf32>
    %add3A = arith.addf %get3A_0, %get3A_2 : vector<65536xf32>
    %get3A_3 = arith.constant 131072 : index
    %get3A_4 = vector.load %arg2[%get3A_3] : memref<2097152xf32, #tpu.memory_space<vmem>>, vector<65536xf32>
    %add3A_5 = arith.addf %add3A, %get3A_4 : vector<65536xf32>
    %get3A_6 = arith.constant 196608 : index
    %get3A_7 = vector.load %arg2[%get3A_6] : memref<2097152xf32, #tpu.memory_space<vmem>>, vector<65536xf32>
    %add3A_8 = arith.addf %add3A_5, %get3A_7 : vector<65536xf32>
    %get3A_9 = arith.constant 262144 : index
    %get3A_10 = vector.load %arg2[%get3A_9] : memref<2097152xf32, #tpu.memory_space<vmem>>, vector<65536xf32>
    %add3A_11 = arith.addf %add3A_8, %get3A_10 : vector<65536xf32>
    %get3A_12 = arith.constant 327680 : index
    %get3A_13 = vector.load %arg2[%get3A_12] : memref<2097152xf32, #tpu.memory_space<vmem>>, vector<65536xf32>
    %add3A_14 = arith.addf %add3A_11, %get3A_13 : vector<65536xf32>
    %get3A_15 = arith.constant 393216 : index
    %get3A_16 = vector.load %arg2[%get3A_15] : memref<2097152xf32, #tpu.memory_space<vmem>>, vector<65536xf32>
    %add3A_17 = arith.addf %add3A_14, %get3A_16 : vector<65536xf32>
    %get3A_18 = arith.constant 458752 : index
    %get3A_19 = vector.load %arg2[%get3A_18] : memref<2097152xf32, #tpu.memory_space<vmem>>, vector<65536xf32>
    %add3A_20 = arith.addf %add3A_17, %get3A_19 : vector<65536xf32>
    %get3A_21 = arith.constant 524288 : index
    %get3A_22 = vector.load %arg2[%get3A_21] : memref<2097152xf32, #tpu.memory_space<vmem>>, vector<65536xf32>
    %add3A_23 = arith.addf %add3A_20, %get3A_22 : vector<65536xf32>
    %get3A_24 = arith.constant 589824 : index
    %get3A_25 = vector.load %arg2[%get3A_24] : memref<2097152xf32, #tpu.memory_space<vmem>>, vector<65536xf32>
    %add3A_26 = arith.addf %add3A_23, %get3A_25 : vector<65536xf32>
    %get3A_27 = arith.constant 655360 : index
    %get3A_28 = vector.load %arg2[%get3A_27] : memref<2097152xf32, #tpu.memory_space<vmem>>, vector<65536xf32>
    %add3A_29 = arith.addf %add3A_26, %get3A_28 : vector<65536xf32>
    %get3A_30 = arith.constant 720896 : index
    %get3A_31 = vector.load %arg2[%get3A_30] : memref<2097152xf32, #tpu.memory_space<vmem>>, vector<65536xf32>
    %add3A_32 = arith.addf %add3A_29, %get3A_31 : vector<65536xf32>
    %get3A_33 = arith.constant 786432 : index
    %get3A_34 = vector.load %arg2[%get3A_33] : memref<2097152xf32, #tpu.memory_space<vmem>>, vector<65536xf32>
    %add3A_35 = arith.addf %add3A_32, %get3A_34 : vector<65536xf32>
    %get3A_36 = arith.constant 851968 : index
    %get3A_37 = vector.load %arg2[%get3A_36] : memref<2097152xf32, #tpu.memory_space<vmem>>, vector<65536xf32>
    %add3A_38 = arith.addf %add3A_35, %get3A_37 : vector<65536xf32>
    %get3A_39 = arith.constant 917504 : index
    %get3A_40 = vector.load %arg2[%get3A_39] : memref<2097152xf32, #tpu.memory_space<vmem>>, vector<65536xf32>
    %add3A_41 = arith.addf %add3A_38, %get3A_40 : vector<65536xf32>
    %get3A_42 = arith.constant 983040 : index
    %get3A_43 = vector.load %arg2[%get3A_42] : memref<2097152xf32, #tpu.memory_space<vmem>>, vector<65536xf32>
    %add3A_44 = arith.addf %add3A_41, %get3A_43 : vector<65536xf32>
    %get3A_45 = arith.constant 1048576 : index
    %get3A_46 = vector.load %arg2[%get3A_45] : memref<2097152xf32, #tpu.memory_space<vmem>>, vector<65536xf32>
    %add3A_47 = arith.addf %add3A_44, %get3A_46 : vector<65536xf32>
    %get3A_48 = arith.constant 1114112 : index
    %get3A_49 = vector.load %arg2[%get3A_48] : memref<2097152xf32, #tpu.memory_space<vmem>>, vector<65536xf32>
    %add3A_50 = arith.addf %add3A_47, %get3A_49 : vector<65536xf32>
    %get3A_51 = arith.constant 1179648 : index
    %get3A_52 = vector.load %arg2[%get3A_51] : memref<2097152xf32, #tpu.memory_space<vmem>>, vector<65536xf32>
    %add3A_53 = arith.addf %add3A_50, %get3A_52 : vector<65536xf32>
    %get3A_54 = arith.constant 1245184 : index
    %get3A_55 = vector.load %arg2[%get3A_54] : memref<2097152xf32, #tpu.memory_space<vmem>>, vector<65536xf32>
    %add3A_56 = arith.addf %add3A_53, %get3A_55 : vector<65536xf32>
    %get3A_57 = arith.constant 1310720 : index
    %get3A_58 = vector.load %arg2[%get3A_57] : memref<2097152xf32, #tpu.memory_space<vmem>>, vector<65536xf32>
    %add3A_59 = arith.addf %add3A_56, %get3A_58 : vector<65536xf32>
    %get3A_60 = arith.constant 1376256 : index
    %get3A_61 = vector.load %arg2[%get3A_60] : memref<2097152xf32, #tpu.memory_space<vmem>>, vector<65536xf32>
    %add3A_62 = arith.addf %add3A_59, %get3A_61 : vector<65536xf32>
    %get3A_63 = arith.constant 1441792 : index
    %get3A_64 = vector.load %arg2[%get3A_63] : memref<2097152xf32, #tpu.memory_space<vmem>>, vector<65536xf32>
    %add3A_65 = arith.addf %add3A_62, %get3A_64 : vector<65536xf32>
    %get3A_66 = arith.constant 1507328 : index
    %get3A_67 = vector.load %arg2[%get3A_66] : memref<2097152xf32, #tpu.memory_space<vmem>>, vector<65536xf32>
    %add3A_68 = arith.addf %add3A_65, %get3A_67 : vector<65536xf32>
    %get3A_69 = arith.constant 1572864 : index
    %get3A_70 = vector.load %arg2[%get3A_69] : memref<2097152xf32, #tpu.memory_space<vmem>>, vector<65536xf32>
    %add3A_71 = arith.addf %add3A_68, %get3A_70 : vector<65536xf32>
    %get3A_72 = arith.constant 1638400 : index
    %get3A_73 = vector.load %arg2[%get3A_72] : memref<2097152xf32, #tpu.memory_space<vmem>>, vector<65536xf32>
    %add3A_74 = arith.addf %add3A_71, %get3A_73 : vector<65536xf32>
    %get3A_75 = arith.constant 1703936 : index
    %get3A_76 = vector.load %arg2[%get3A_75] : memref<2097152xf32, #tpu.memory_space<vmem>>, vector<65536xf32>
    %add3A_77 = arith.addf %add3A_74, %get3A_76 : vector<65536xf32>
    %get3A_78 = arith.constant 1769472 : index
    %get3A_79 = vector.load %arg2[%get3A_78] : memref<2097152xf32, #tpu.memory_space<vmem>>, vector<65536xf32>
    %add3A_80 = arith.addf %add3A_77, %get3A_79 : vector<65536xf32>
    %get3A_81 = arith.constant 1835008 : index
    %get3A_82 = vector.load %arg2[%get3A_81] : memref<2097152xf32, #tpu.memory_space<vmem>>, vector<65536xf32>
    %add3A_83 = arith.addf %add3A_80, %get3A_82 : vector<65536xf32>
    %get3A_84 = arith.constant 1900544 : index
    %get3A_85 = vector.load %arg2[%get3A_84] : memref<2097152xf32, #tpu.memory_space<vmem>>, vector<65536xf32>
    %add3A_86 = arith.addf %add3A_83, %get3A_85 : vector<65536xf32>
    %get3A_87 = arith.constant 1966080 : index
    %get3A_88 = vector.load %arg2[%get3A_87] : memref<2097152xf32, #tpu.memory_space<vmem>>, vector<65536xf32>
    %add3A_89 = arith.addf %add3A_86, %get3A_88 : vector<65536xf32>
    %get3A_90 = arith.constant 2031616 : index
    %get3A_91 = vector.load %arg2[%get3A_90] : memref<2097152xf32, #tpu.memory_space<vmem>>, vector<65536xf32>
    %add3A_92 = arith.addf %add3A_89, %get3A_91 : vector<65536xf32>
    %reshape3A = vector.shape_cast %add3A_92 : vector<65536xf32> to vector<256x256xf32>
    %reduce_sum3A = arith.constant dense<0.000000e+00> : vector<256xf32>
    %reduce_sum3A_93 = vector.multi_reduction <add>, %reshape3A, %reduce_sum3A [1] : vector<256x256xf32> to vector<256xf32>
    %broadcast_in_dim3A = vector.shape_cast %reduce_sum3A_93 : vector<256xf32> to vector<256x1xf32>
    %max3A = arith.constant 1.000000e+00 : f32
    %max3A_94 = vector.broadcast %max3A : f32 to vector<256x1xf32>
    %max3A_95 = arith.maximumf %broadcast_in_dim3A, %max3A_94 : vector<256x1xf32>
    %get3A_96 = arith.constant 0 : index
    %get3A_97 = arith.constant 0 : index
    %get3A_98 = vector.load %arg0[%get3A_96, %get3A_97] : memref<512x256xf32, #tpu.memory_space<vmem>>, vector<256x256xf32>
    %convert_element_type3A = arith.truncf %reshape3A : vector<256x256xf32> to vector<256x256xbf16>
    %get3A_99 = arith.constant 0 : index
    %get3A_100 = arith.constant 0 : index
    %get3A_101 = vector.load %arg3[%get3A_99, %get3A_100] : memref<256x256xf32, #tpu.memory_space<vmem>>, vector<256x256xf32>
    %dot_general3A = arith.constant dense<0.000000e+00> : vector<256x256xf32>
    %dot_general3A_102 = tpu.matmul %get3A_98, %get3A_101, %dot_general3A {dimension_numbers = #tpu.dot_dimension_numbers<[1], [0], [0], [1], [0, 0, 1, 1], [], []>, transpose_lhs_hint = false} : vector<256x256xf32>, vector<256x256xf32>, vector<256x256xf32> -> vector<256x256xf32>
    %convert_element_type3A_103 = arith.truncf %dot_general3A_102 : vector<256x256xf32> to vector<256x256xbf16>
    %get3A_104 = arith.constant 0 : index
    %get3A_105 = arith.constant 0 : index
    %get3A_106 = vector.load %arg1[%get3A_104, %get3A_105] : memref<256x256xf32, #tpu.memory_space<vmem>>, vector<256x256xf32>
    %get3A_107 = arith.constant 0 : index
    %get3A_108 = arith.constant 0 : index
    %get3A_109 = vector.load %arg4[%get3A_107, %get3A_108] : memref<256x256xf32, #tpu.memory_space<vmem>>, vector<256x256xf32>
    %dot_general3A_110 = arith.constant dense<0.000000e+00> : vector<256x256xf32>
    %dot_general3A_111 = tpu.matmul %get3A_106, %get3A_109, %dot_general3A_110 {dimension_numbers = #tpu.dot_dimension_numbers<[1], [0], [0], [1], [0, 0, 1, 1], [], []>, transpose_lhs_hint = false} : vector<256x256xf32>, vector<256x256xf32>, vector<256x256xf32> -> vector<256x256xf32>
    %get3A_112 = arith.constant 0 : index
    %get3A_113 = arith.constant 0 : index
    %get3A_114 = vector.load %arg5[%get3A_112, %get3A_113] : memref<1x256xf32, #tpu.memory_space<vmem>>, vector<1x256xf32>
    %add3A_115 = vector.broadcast %get3A_114 : vector<1x256xf32> to vector<256x256xf32>
    %add3A_116 = arith.addf %dot_general3A_111, %add3A_115 : vector<256x256xf32>
    %convert_element_type3A_117 = arith.truncf %add3A_116 : vector<256x256xf32> to vector<256x256xbf16>
    %slice3A = vector.extract_strided_slice %convert_element_type3A_103 {offsets = [0, 0], sizes = [32, 256], strides = [1, 1]} : vector<256x256xbf16> to vector<32x256xbf16>
    %broadcast_in_dim3A_118 = vector.shape_cast %slice3A : vector<32x256xbf16> to vector<32x1x256xbf16>
    %broadcast_in_dim3A_119 = vector.shape_cast %convert_element_type3A_117 : vector<256x256xbf16> to vector<1x256x256xbf16>
    %add3A_120 = vector.broadcast %broadcast_in_dim3A_118 : vector<32x1x256xbf16> to vector<32x256x256xbf16>
    %add3A_121 = vector.broadcast %broadcast_in_dim3A_119 : vector<1x256x256xbf16> to vector<32x256x256xbf16>
    %add3A_122 = arith.addf %add3A_120, %add3A_121 : vector<32x256x256xbf16>
    %max3A_123 = arith.constant 0.000000e+00 : bf16
    %max3A_124 = vector.broadcast %max3A_123 : bf16 to vector<32x256x256xbf16>
    %max3A_125 = arith.maximumf %add3A_122, %max3A_124 : vector<32x256x256xbf16>
    %slice3A_126 = vector.extract_strided_slice %convert_element_type3A {offsets = [0, 0], sizes = [32, 256], strides = [1, 1]} : vector<256x256xbf16> to vector<32x256xbf16>
    %broadcast_in_dim3A_127 = vector.shape_cast %slice3A_126 : vector<32x256xbf16> to vector<32x256x1xbf16>
    %mul3A = vector.broadcast %broadcast_in_dim3A_127 : vector<32x256x1xbf16> to vector<32x256x256xbf16>
    %mul3A_128 = arith.mulf %max3A_125, %mul3A : vector<32x256x256xbf16>
    %convert_element_type3A_129 = arith.extf %mul3A_128 : vector<32x256x256xbf16> to vector<32x256x256xf32>
    %reduce_sum3A_130 = arith.constant dense<0.000000e+00> : vector<32x256xf32>
    %reduce_sum3A_131 = vector.multi_reduction <add>, %convert_element_type3A_129, %reduce_sum3A_130 [1] : vector<32x256x256xf32> to vector<32x256xf32>
    %slice3A_132 = vector.extract_strided_slice %convert_element_type3A_103 {offsets = [32, 0], sizes = [32, 256], strides = [1, 1]} : vector<256x256xbf16> to vector<32x256xbf16>
    %broadcast_in_dim3A_133 = vector.shape_cast %slice3A_132 : vector<32x256xbf16> to vector<32x1x256xbf16>
    %broadcast_in_dim3A_134 = vector.shape_cast %convert_element_type3A_117 : vector<256x256xbf16> to vector<1x256x256xbf16>
    %add3A_135 = vector.broadcast %broadcast_in_dim3A_133 : vector<32x1x256xbf16> to vector<32x256x256xbf16>
    %add3A_136 = vector.broadcast %broadcast_in_dim3A_134 : vector<1x256x256xbf16> to vector<32x256x256xbf16>
    %add3A_137 = arith.addf %add3A_135, %add3A_136 : vector<32x256x256xbf16>
    %max3A_138 = arith.constant 0.000000e+00 : bf16
    %max3A_139 = vector.broadcast %max3A_138 : bf16 to vector<32x256x256xbf16>
    %max3A_140 = arith.maximumf %add3A_137, %max3A_139 : vector<32x256x256xbf16>
    %slice3A_141 = vector.extract_strided_slice %convert_element_type3A {offsets = [32, 0], sizes = [32, 256], strides = [1, 1]} : vector<256x256xbf16> to vector<32x256xbf16>
    %broadcast_in_dim3A_142 = vector.shape_cast %slice3A_141 : vector<32x256xbf16> to vector<32x256x1xbf16>
    %mul3A_143 = vector.broadcast %broadcast_in_dim3A_142 : vector<32x256x1xbf16> to vector<32x256x256xbf16>
    %mul3A_144 = arith.mulf %max3A_140, %mul3A_143 : vector<32x256x256xbf16>
    %convert_element_type3A_145 = arith.extf %mul3A_144 : vector<32x256x256xbf16> to vector<32x256x256xf32>
    %reduce_sum3A_146 = arith.constant dense<0.000000e+00> : vector<32x256xf32>
    %reduce_sum3A_147 = vector.multi_reduction <add>, %convert_element_type3A_145, %reduce_sum3A_146 [1] : vector<32x256x256xf32> to vector<32x256xf32>
    %slice3A_148 = vector.extract_strided_slice %convert_element_type3A_103 {offsets = [64, 0], sizes = [32, 256], strides = [1, 1]} : vector<256x256xbf16> to vector<32x256xbf16>
    %broadcast_in_dim3A_149 = vector.shape_cast %slice3A_148 : vector<32x256xbf16> to vector<32x1x256xbf16>
    %broadcast_in_dim3A_150 = vector.shape_cast %convert_element_type3A_117 : vector<256x256xbf16> to vector<1x256x256xbf16>
    %add3A_151 = vector.broadcast %broadcast_in_dim3A_149 : vector<32x1x256xbf16> to vector<32x256x256xbf16>
    %add3A_152 = vector.broadcast %broadcast_in_dim3A_150 : vector<1x256x256xbf16> to vector<32x256x256xbf16>
    %add3A_153 = arith.addf %add3A_151, %add3A_152 : vector<32x256x256xbf16>
    %max3A_154 = arith.constant 0.000000e+00 : bf16
    %max3A_155 = vector.broadcast %max3A_154 : bf16 to vector<32x256x256xbf16>
    %max3A_156 = arith.maximumf %add3A_153, %max3A_155 : vector<32x256x256xbf16>
    %slice3A_157 = vector.extract_strided_slice %convert_element_type3A {offsets = [64, 0], sizes = [32, 256], strides = [1, 1]} : vector<256x256xbf16> to vector<32x256xbf16>
    %broadcast_in_dim3A_158 = vector.shape_cast %slice3A_157 : vector<32x256xbf16> to vector<32x256x1xbf16>
    %mul3A_159 = vector.broadcast %broadcast_in_dim3A_158 : vector<32x256x1xbf16> to vector<32x256x256xbf16>
    %mul3A_160 = arith.mulf %max3A_156, %mul3A_159 : vector<32x256x256xbf16>
    %convert_element_type3A_161 = arith.extf %mul3A_160 : vector<32x256x256xbf16> to vector<32x256x256xf32>
    %reduce_sum3A_162 = arith.constant dense<0.000000e+00> : vector<32x256xf32>
    %reduce_sum3A_163 = vector.multi_reduction <add>, %convert_element_type3A_161, %reduce_sum3A_162 [1] : vector<32x256x256xf32> to vector<32x256xf32>
    %slice3A_164 = vector.extract_strided_slice %convert_element_type3A_103 {offsets = [96, 0], sizes = [32, 256], strides = [1, 1]} : vector<256x256xbf16> to vector<32x256xbf16>
    %broadcast_in_dim3A_165 = vector.shape_cast %slice3A_164 : vector<32x256xbf16> to vector<32x1x256xbf16>
    %broadcast_in_dim3A_166 = vector.shape_cast %convert_element_type3A_117 : vector<256x256xbf16> to vector<1x256x256xbf16>
    %add3A_167 = vector.broadcast %broadcast_in_dim3A_165 : vector<32x1x256xbf16> to vector<32x256x256xbf16>
    %add3A_168 = vector.broadcast %broadcast_in_dim3A_166 : vector<1x256x256xbf16> to vector<32x256x256xbf16>
    %add3A_169 = arith.addf %add3A_167, %add3A_168 : vector<32x256x256xbf16>
    %max3A_170 = arith.constant 0.000000e+00 : bf16
    %max3A_171 = vector.broadcast %max3A_170 : bf16 to vector<32x256x256xbf16>
    %max3A_172 = arith.maximumf %add3A_169, %max3A_171 : vector<32x256x256xbf16>
    %slice3A_173 = vector.extract_strided_slice %convert_element_type3A {offsets = [96, 0], sizes = [32, 256], strides = [1, 1]} : vector<256x256xbf16> to vector<32x256xbf16>
    %broadcast_in_dim3A_174 = vector.shape_cast %slice3A_173 : vector<32x256xbf16> to vector<32x256x1xbf16>
    %mul3A_175 = vector.broadcast %broadcast_in_dim3A_174 : vector<32x256x1xbf16> to vector<32x256x256xbf16>
    %mul3A_176 = arith.mulf %max3A_172, %mul3A_175 : vector<32x256x256xbf16>
    %convert_element_type3A_177 = arith.extf %mul3A_176 : vector<32x256x256xbf16> to vector<32x256x256xf32>
    %reduce_sum3A_178 = arith.constant dense<0.000000e+00> : vector<32x256xf32>
    %reduce_sum3A_179 = vector.multi_reduction <add>, %convert_element_type3A_177, %reduce_sum3A_178 [1] : vector<32x256x256xf32> to vector<32x256xf32>
    %slice3A_180 = vector.extract_strided_slice %convert_element_type3A_103 {offsets = [128, 0], sizes = [32, 256], strides = [1, 1]} : vector<256x256xbf16> to vector<32x256xbf16>
    %broadcast_in_dim3A_181 = vector.shape_cast %slice3A_180 : vector<32x256xbf16> to vector<32x1x256xbf16>
    %broadcast_in_dim3A_182 = vector.shape_cast %convert_element_type3A_117 : vector<256x256xbf16> to vector<1x256x256xbf16>
    %add3A_183 = vector.broadcast %broadcast_in_dim3A_181 : vector<32x1x256xbf16> to vector<32x256x256xbf16>
    %add3A_184 = vector.broadcast %broadcast_in_dim3A_182 : vector<1x256x256xbf16> to vector<32x256x256xbf16>
    %add3A_185 = arith.addf %add3A_183, %add3A_184 : vector<32x256x256xbf16>
    %max3A_186 = arith.constant 0.000000e+00 : bf16
    %max3A_187 = vector.broadcast %max3A_186 : bf16 to vector<32x256x256xbf16>
    %max3A_188 = arith.maximumf %add3A_185, %max3A_187 : vector<32x256x256xbf16>
    %slice3A_189 = vector.extract_strided_slice %convert_element_type3A {offsets = [128, 0], sizes = [32, 256], strides = [1, 1]} : vector<256x256xbf16> to vector<32x256xbf16>
    %broadcast_in_dim3A_190 = vector.shape_cast %slice3A_189 : vector<32x256xbf16> to vector<32x256x1xbf16>
    %mul3A_191 = vector.broadcast %broadcast_in_dim3A_190 : vector<32x256x1xbf16> to vector<32x256x256xbf16>
    %mul3A_192 = arith.mulf %max3A_188, %mul3A_191 : vector<32x256x256xbf16>
    %convert_element_type3A_193 = arith.extf %mul3A_192 : vector<32x256x256xbf16> to vector<32x256x256xf32>
    %reduce_sum3A_194 = arith.constant dense<0.000000e+00> : vector<32x256xf32>
    %reduce_sum3A_195 = vector.multi_reduction <add>, %convert_element_type3A_193, %reduce_sum3A_194 [1] : vector<32x256x256xf32> to vector<32x256xf32>
    %slice3A_196 = vector.extract_strided_slice %convert_element_type3A_103 {offsets = [160, 0], sizes = [32, 256], strides = [1, 1]} : vector<256x256xbf16> to vector<32x256xbf16>
    %broadcast_in_dim3A_197 = vector.shape_cast %slice3A_196 : vector<32x256xbf16> to vector<32x1x256xbf16>
    %broadcast_in_dim3A_198 = vector.shape_cast %convert_element_type3A_117 : vector<256x256xbf16> to vector<1x256x256xbf16>
    %add3A_199 = vector.broadcast %broadcast_in_dim3A_197 : vector<32x1x256xbf16> to vector<32x256x256xbf16>
    %add3A_200 = vector.broadcast %broadcast_in_dim3A_198 : vector<1x256x256xbf16> to vector<32x256x256xbf16>
    %add3A_201 = arith.addf %add3A_199, %add3A_200 : vector<32x256x256xbf16>
    %max3A_202 = arith.constant 0.000000e+00 : bf16
    %max3A_203 = vector.broadcast %max3A_202 : bf16 to vector<32x256x256xbf16>
    %max3A_204 = arith.maximumf %add3A_201, %max3A_203 : vector<32x256x256xbf16>
    %slice3A_205 = vector.extract_strided_slice %convert_element_type3A {offsets = [160, 0], sizes = [32, 256], strides = [1, 1]} : vector<256x256xbf16> to vector<32x256xbf16>
    %broadcast_in_dim3A_206 = vector.shape_cast %slice3A_205 : vector<32x256xbf16> to vector<32x256x1xbf16>
    %mul3A_207 = vector.broadcast %broadcast_in_dim3A_206 : vector<32x256x1xbf16> to vector<32x256x256xbf16>
    %mul3A_208 = arith.mulf %max3A_204, %mul3A_207 : vector<32x256x256xbf16>
    %convert_element_type3A_209 = arith.extf %mul3A_208 : vector<32x256x256xbf16> to vector<32x256x256xf32>
    %reduce_sum3A_210 = arith.constant dense<0.000000e+00> : vector<32x256xf32>
    %reduce_sum3A_211 = vector.multi_reduction <add>, %convert_element_type3A_209, %reduce_sum3A_210 [1] : vector<32x256x256xf32> to vector<32x256xf32>
    %slice3A_212 = vector.extract_strided_slice %convert_element_type3A_103 {offsets = [192, 0], sizes = [32, 256], strides = [1, 1]} : vector<256x256xbf16> to vector<32x256xbf16>
    %broadcast_in_dim3A_213 = vector.shape_cast %slice3A_212 : vector<32x256xbf16> to vector<32x1x256xbf16>
    %broadcast_in_dim3A_214 = vector.shape_cast %convert_element_type3A_117 : vector<256x256xbf16> to vector<1x256x256xbf16>
    %add3A_215 = vector.broadcast %broadcast_in_dim3A_213 : vector<32x1x256xbf16> to vector<32x256x256xbf16>
    %add3A_216 = vector.broadcast %broadcast_in_dim3A_214 : vector<1x256x256xbf16> to vector<32x256x256xbf16>
    %add3A_217 = arith.addf %add3A_215, %add3A_216 : vector<32x256x256xbf16>
    %max3A_218 = arith.constant 0.000000e+00 : bf16
    %max3A_219 = vector.broadcast %max3A_218 : bf16 to vector<32x256x256xbf16>
    %max3A_220 = arith.maximumf %add3A_217, %max3A_219 : vector<32x256x256xbf16>
    %slice3A_221 = vector.extract_strided_slice %convert_element_type3A {offsets = [192, 0], sizes = [32, 256], strides = [1, 1]} : vector<256x256xbf16> to vector<32x256xbf16>
    %broadcast_in_dim3A_222 = vector.shape_cast %slice3A_221 : vector<32x256xbf16> to vector<32x256x1xbf16>
    %mul3A_223 = vector.broadcast %broadcast_in_dim3A_222 : vector<32x256x1xbf16> to vector<32x256x256xbf16>
    %mul3A_224 = arith.mulf %max3A_220, %mul3A_223 : vector<32x256x256xbf16>
    %convert_element_type3A_225 = arith.extf %mul3A_224 : vector<32x256x256xbf16> to vector<32x256x256xf32>
    %reduce_sum3A_226 = arith.constant dense<0.000000e+00> : vector<32x256xf32>
    %reduce_sum3A_227 = vector.multi_reduction <add>, %convert_element_type3A_225, %reduce_sum3A_226 [1] : vector<32x256x256xf32> to vector<32x256xf32>
    %slice3A_228 = vector.extract_strided_slice %convert_element_type3A_103 {offsets = [224, 0], sizes = [32, 256], strides = [1, 1]} : vector<256x256xbf16> to vector<32x256xbf16>
    %broadcast_in_dim3A_229 = vector.shape_cast %slice3A_228 : vector<32x256xbf16> to vector<32x1x256xbf16>
    %broadcast_in_dim3A_230 = vector.shape_cast %convert_element_type3A_117 : vector<256x256xbf16> to vector<1x256x256xbf16>
    %add3A_231 = vector.broadcast %broadcast_in_dim3A_229 : vector<32x1x256xbf16> to vector<32x256x256xbf16>
    %add3A_232 = vector.broadcast %broadcast_in_dim3A_230 : vector<1x256x256xbf16> to vector<32x256x256xbf16>
    %add3A_233 = arith.addf %add3A_231, %add3A_232 : vector<32x256x256xbf16>
    %max3A_234 = arith.constant 0.000000e+00 : bf16
    %max3A_235 = vector.broadcast %max3A_234 : bf16 to vector<32x256x256xbf16>
    %max3A_236 = arith.maximumf %add3A_233, %max3A_235 : vector<32x256x256xbf16>
    %slice3A_237 = vector.extract_strided_slice %convert_element_type3A {offsets = [224, 0], sizes = [32, 256], strides = [1, 1]} : vector<256x256xbf16> to vector<32x256xbf16>
    %broadcast_in_dim3A_238 = vector.shape_cast %slice3A_237 : vector<32x256xbf16> to vector<32x256x1xbf16>
    %mul3A_239 = vector.broadcast %broadcast_in_dim3A_238 : vector<32x256x1xbf16> to vector<32x256x256xbf16>
    %mul3A_240 = arith.mulf %max3A_236, %mul3A_239 : vector<32x256x256xbf16>
    %convert_element_type3A_241 = arith.extf %mul3A_240 : vector<32x256x256xbf16> to vector<32x256x256xf32>
    %reduce_sum3A_242 = arith.constant dense<0.000000e+00> : vector<32x256xf32>
    %reduce_sum3A_243 = vector.multi_reduction <add>, %convert_element_type3A_241, %reduce_sum3A_242 [1] : vector<32x256x256xf32> to vector<32x256xf32>
    %concatenate3A = tpu.concatenate %reduce_sum3A_131, %reduce_sum3A_147, %reduce_sum3A_163, %reduce_sum3A_179, %reduce_sum3A_195, %reduce_sum3A_211, %reduce_sum3A_227, %reduce_sum3A_243 in 0 : vector<32x256xf32>, vector<32x256xf32>, vector<32x256xf32>, vector<32x256xf32>, vector<32x256xf32>, vector<32x256xf32>, vector<32x256xf32>, vector<32x256xf32> -> vector<256x256xf32>
    %div3A = vector.broadcast %max3A_95 : vector<256x1xf32> to vector<256x256xf32>
    %div3A_244 = arith.divf %concatenate3A, %div3A : vector<256x256xf32>
    %add3A_245 = arith.addf %get3A_98, %div3A_244 : vector<256x256xf32>
    %get3A_246 = arith.constant 0 : index
    %get3A_247 = arith.constant 0 : index
    %get3A_248 = vector.load %arg6[%get3A_246, %get3A_247] : memref<256x256xf32, #tpu.memory_space<vmem>>, vector<256x256xf32>
    %dot_general3A_249 = arith.constant dense<0.000000e+00> : vector<256x256xf32>
    %dot_general3A_250 = tpu.matmul %add3A_245, %get3A_248, %dot_general3A_249 {dimension_numbers = #tpu.dot_dimension_numbers<[1], [0], [0], [1], [0, 0, 1, 1], [], []>, transpose_lhs_hint = false} : vector<256x256xf32>, vector<256x256xf32>, vector<256x256xf32> -> vector<256x256xf32>
    %convert_element_type3A_251 = arith.truncf %dot_general3A_250 : vector<256x256xf32> to vector<256x256xbf16>
    %get3A_252 = arith.constant 0 : index
    %get3A_253 = arith.constant 0 : index
    %get3A_254 = vector.load %arg1[%get3A_252, %get3A_253] : memref<256x256xf32, #tpu.memory_space<vmem>>, vector<256x256xf32>
    %get3A_255 = arith.constant 0 : index
    %get3A_256 = arith.constant 0 : index
    %get3A_257 = vector.load %arg7[%get3A_255, %get3A_256] : memref<256x256xf32, #tpu.memory_space<vmem>>, vector<256x256xf32>
    %dot_general3A_258 = arith.constant dense<0.000000e+00> : vector<256x256xf32>
    %dot_general3A_259 = tpu.matmul %get3A_254, %get3A_257, %dot_general3A_258 {dimension_numbers = #tpu.dot_dimension_numbers<[1], [0], [0], [1], [0, 0, 1, 1], [], []>, transpose_lhs_hint = false} : vector<256x256xf32>, vector<256x256xf32>, vector<256x256xf32> -> vector<256x256xf32>
    %get3A_260 = arith.constant 0 : index
    %get3A_261 = arith.constant 0 : index
    %get3A_262 = vector.load %arg8[%get3A_260, %get3A_261] : memref<1x256xf32, #tpu.memory_space<vmem>>, vector<1x256xf32>
    %add3A_263 = vector.broadcast %get3A_262 : vector<1x256xf32> to vector<256x256xf32>
    %add3A_264 = arith.addf %dot_general3A_259, %add3A_263 : vector<256x256xf32>
    %convert_element_type3A_265 = arith.truncf %add3A_264 : vector<256x256xf32> to vector<256x256xbf16>
    %slice3A_266 = vector.extract_strided_slice %convert_element_type3A_251 {offsets = [0, 0], sizes = [32, 256], strides = [1, 1]} : vector<256x256xbf16> to vector<32x256xbf16>
    %broadcast_in_dim3A_267 = vector.shape_cast %slice3A_266 : vector<32x256xbf16> to vector<32x1x256xbf16>
    %broadcast_in_dim3A_268 = vector.shape_cast %convert_element_type3A_265 : vector<256x256xbf16> to vector<1x256x256xbf16>
    %add3A_269 = vector.broadcast %broadcast_in_dim3A_267 : vector<32x1x256xbf16> to vector<32x256x256xbf16>
    %add3A_270 = vector.broadcast %broadcast_in_dim3A_268 : vector<1x256x256xbf16> to vector<32x256x256xbf16>
    %add3A_271 = arith.addf %add3A_269, %add3A_270 : vector<32x256x256xbf16>
    %max3A_272 = arith.constant 0.000000e+00 : bf16
    %max3A_273 = vector.broadcast %max3A_272 : bf16 to vector<32x256x256xbf16>
    %max3A_274 = arith.maximumf %add3A_271, %max3A_273 : vector<32x256x256xbf16>
    %slice3A_275 = vector.extract_strided_slice %convert_element_type3A {offsets = [0, 0], sizes = [32, 256], strides = [1, 1]} : vector<256x256xbf16> to vector<32x256xbf16>
    %broadcast_in_dim3A_276 = vector.shape_cast %slice3A_275 : vector<32x256xbf16> to vector<32x256x1xbf16>
    %mul3A_277 = vector.broadcast %broadcast_in_dim3A_276 : vector<32x256x1xbf16> to vector<32x256x256xbf16>
    %mul3A_278 = arith.mulf %max3A_274, %mul3A_277 : vector<32x256x256xbf16>
    %convert_element_type3A_279 = arith.extf %mul3A_278 : vector<32x256x256xbf16> to vector<32x256x256xf32>
    %reduce_sum3A_280 = arith.constant dense<0.000000e+00> : vector<32x256xf32>
    %reduce_sum3A_281 = vector.multi_reduction <add>, %convert_element_type3A_279, %reduce_sum3A_280 [1] : vector<32x256x256xf32> to vector<32x256xf32>
    %slice3A_282 = vector.extract_strided_slice %convert_element_type3A_251 {offsets = [32, 0], sizes = [32, 256], strides = [1, 1]} : vector<256x256xbf16> to vector<32x256xbf16>
    %broadcast_in_dim3A_283 = vector.shape_cast %slice3A_282 : vector<32x256xbf16> to vector<32x1x256xbf16>
    %broadcast_in_dim3A_284 = vector.shape_cast %convert_element_type3A_265 : vector<256x256xbf16> to vector<1x256x256xbf16>
    %add3A_285 = vector.broadcast %broadcast_in_dim3A_283 : vector<32x1x256xbf16> to vector<32x256x256xbf16>
    %add3A_286 = vector.broadcast %broadcast_in_dim3A_284 : vector<1x256x256xbf16> to vector<32x256x256xbf16>
    %add3A_287 = arith.addf %add3A_285, %add3A_286 : vector<32x256x256xbf16>
    %max3A_288 = arith.constant 0.000000e+00 : bf16
    %max3A_289 = vector.broadcast %max3A_288 : bf16 to vector<32x256x256xbf16>
    %max3A_290 = arith.maximumf %add3A_287, %max3A_289 : vector<32x256x256xbf16>
    %slice3A_291 = vector.extract_strided_slice %convert_element_type3A {offsets = [32, 0], sizes = [32, 256], strides = [1, 1]} : vector<256x256xbf16> to vector<32x256xbf16>
    %broadcast_in_dim3A_292 = vector.shape_cast %slice3A_291 : vector<32x256xbf16> to vector<32x256x1xbf16>
    %mul3A_293 = vector.broadcast %broadcast_in_dim3A_292 : vector<32x256x1xbf16> to vector<32x256x256xbf16>
    %mul3A_294 = arith.mulf %max3A_290, %mul3A_293 : vector<32x256x256xbf16>
    %convert_element_type3A_295 = arith.extf %mul3A_294 : vector<32x256x256xbf16> to vector<32x256x256xf32>
    %reduce_sum3A_296 = arith.constant dense<0.000000e+00> : vector<32x256xf32>
    %reduce_sum3A_297 = vector.multi_reduction <add>, %convert_element_type3A_295, %reduce_sum3A_296 [1] : vector<32x256x256xf32> to vector<32x256xf32>
    %slice3A_298 = vector.extract_strided_slice %convert_element_type3A_251 {offsets = [64, 0], sizes = [32, 256], strides = [1, 1]} : vector<256x256xbf16> to vector<32x256xbf16>
    %broadcast_in_dim3A_299 = vector.shape_cast %slice3A_298 : vector<32x256xbf16> to vector<32x1x256xbf16>
    %broadcast_in_dim3A_300 = vector.shape_cast %convert_element_type3A_265 : vector<256x256xbf16> to vector<1x256x256xbf16>
    %add3A_301 = vector.broadcast %broadcast_in_dim3A_299 : vector<32x1x256xbf16> to vector<32x256x256xbf16>
    %add3A_302 = vector.broadcast %broadcast_in_dim3A_300 : vector<1x256x256xbf16> to vector<32x256x256xbf16>
    %add3A_303 = arith.addf %add3A_301, %add3A_302 : vector<32x256x256xbf16>
    %max3A_304 = arith.constant 0.000000e+00 : bf16
    %max3A_305 = vector.broadcast %max3A_304 : bf16 to vector<32x256x256xbf16>
    %max3A_306 = arith.maximumf %add3A_303, %max3A_305 : vector<32x256x256xbf16>
    %slice3A_307 = vector.extract_strided_slice %convert_element_type3A {offsets = [64, 0], sizes = [32, 256], strides = [1, 1]} : vector<256x256xbf16> to vector<32x256xbf16>
    %broadcast_in_dim3A_308 = vector.shape_cast %slice3A_307 : vector<32x256xbf16> to vector<32x256x1xbf16>
    %mul3A_309 = vector.broadcast %broadcast_in_dim3A_308 : vector<32x256x1xbf16> to vector<32x256x256xbf16>
    %mul3A_310 = arith.mulf %max3A_306, %mul3A_309 : vector<32x256x256xbf16>
    %convert_element_type3A_311 = arith.extf %mul3A_310 : vector<32x256x256xbf16> to vector<32x256x256xf32>
    %reduce_sum3A_312 = arith.constant dense<0.000000e+00> : vector<32x256xf32>
    %reduce_sum3A_313 = vector.multi_reduction <add>, %convert_element_type3A_311, %reduce_sum3A_312 [1] : vector<32x256x256xf32> to vector<32x256xf32>
    %slice3A_314 = vector.extract_strided_slice %convert_element_type3A_251 {offsets = [96, 0], sizes = [32, 256], strides = [1, 1]} : vector<256x256xbf16> to vector<32x256xbf16>
    %broadcast_in_dim3A_315 = vector.shape_cast %slice3A_314 : vector<32x256xbf16> to vector<32x1x256xbf16>
    %broadcast_in_dim3A_316 = vector.shape_cast %convert_element_type3A_265 : vector<256x256xbf16> to vector<1x256x256xbf16>
    %add3A_317 = vector.broadcast %broadcast_in_dim3A_315 : vector<32x1x256xbf16> to vector<32x256x256xbf16>
    %add3A_318 = vector.broadcast %broadcast_in_dim3A_316 : vector<1x256x256xbf16> to vector<32x256x256xbf16>
    %add3A_319 = arith.addf %add3A_317, %add3A_318 : vector<32x256x256xbf16>
    %max3A_320 = arith.constant 0.000000e+00 : bf16
    %max3A_321 = vector.broadcast %max3A_320 : bf16 to vector<32x256x256xbf16>
    %max3A_322 = arith.maximumf %add3A_319, %max3A_321 : vector<32x256x256xbf16>
    %slice3A_323 = vector.extract_strided_slice %convert_element_type3A {offsets = [96, 0], sizes = [32, 256], strides = [1, 1]} : vector<256x256xbf16> to vector<32x256xbf16>
    %broadcast_in_dim3A_324 = vector.shape_cast %slice3A_323 : vector<32x256xbf16> to vector<32x256x1xbf16>
    %mul3A_325 = vector.broadcast %broadcast_in_dim3A_324 : vector<32x256x1xbf16> to vector<32x256x256xbf16>
    %mul3A_326 = arith.mulf %max3A_322, %mul3A_325 : vector<32x256x256xbf16>
    %convert_element_type3A_327 = arith.extf %mul3A_326 : vector<32x256x256xbf16> to vector<32x256x256xf32>
    %reduce_sum3A_328 = arith.constant dense<0.000000e+00> : vector<32x256xf32>
    %reduce_sum3A_329 = vector.multi_reduction <add>, %convert_element_type3A_327, %reduce_sum3A_328 [1] : vector<32x256x256xf32> to vector<32x256xf32>
    %slice3A_330 = vector.extract_strided_slice %convert_element_type3A_251 {offsets = [128, 0], sizes = [32, 256], strides = [1, 1]} : vector<256x256xbf16> to vector<32x256xbf16>
    %broadcast_in_dim3A_331 = vector.shape_cast %slice3A_330 : vector<32x256xbf16> to vector<32x1x256xbf16>
    %broadcast_in_dim3A_332 = vector.shape_cast %convert_element_type3A_265 : vector<256x256xbf16> to vector<1x256x256xbf16>
    %add3A_333 = vector.broadcast %broadcast_in_dim3A_331 : vector<32x1x256xbf16> to vector<32x256x256xbf16>
    %add3A_334 = vector.broadcast %broadcast_in_dim3A_332 : vector<1x256x256xbf16> to vector<32x256x256xbf16>
    %add3A_335 = arith.addf %add3A_333, %add3A_334 : vector<32x256x256xbf16>
    %max3A_336 = arith.constant 0.000000e+00 : bf16
    %max3A_337 = vector.broadcast %max3A_336 : bf16 to vector<32x256x256xbf16>
    %max3A_338 = arith.maximumf %add3A_335, %max3A_337 : vector<32x256x256xbf16>
    %slice3A_339 = vector.extract_strided_slice %convert_element_type3A {offsets = [128, 0], sizes = [32, 256], strides = [1, 1]} : vector<256x256xbf16> to vector<32x256xbf16>
    %broadcast_in_dim3A_340 = vector.shape_cast %slice3A_339 : vector<32x256xbf16> to vector<32x256x1xbf16>
    %mul3A_341 = vector.broadcast %broadcast_in_dim3A_340 : vector<32x256x1xbf16> to vector<32x256x256xbf16>
    %mul3A_342 = arith.mulf %max3A_338, %mul3A_341 : vector<32x256x256xbf16>
    %convert_element_type3A_343 = arith.extf %mul3A_342 : vector<32x256x256xbf16> to vector<32x256x256xf32>
    %reduce_sum3A_344 = arith.constant dense<0.000000e+00> : vector<32x256xf32>
    %reduce_sum3A_345 = vector.multi_reduction <add>, %convert_element_type3A_343, %reduce_sum3A_344 [1] : vector<32x256x256xf32> to vector<32x256xf32>
    %slice3A_346 = vector.extract_strided_slice %convert_element_type3A_251 {offsets = [160, 0], sizes = [32, 256], strides = [1, 1]} : vector<256x256xbf16> to vector<32x256xbf16>
    %broadcast_in_dim3A_347 = vector.shape_cast %slice3A_346 : vector<32x256xbf16> to vector<32x1x256xbf16>
    %broadcast_in_dim3A_348 = vector.shape_cast %convert_element_type3A_265 : vector<256x256xbf16> to vector<1x256x256xbf16>
    %add3A_349 = vector.broadcast %broadcast_in_dim3A_347 : vector<32x1x256xbf16> to vector<32x256x256xbf16>
    %add3A_350 = vector.broadcast %broadcast_in_dim3A_348 : vector<1x256x256xbf16> to vector<32x256x256xbf16>
    %add3A_351 = arith.addf %add3A_349, %add3A_350 : vector<32x256x256xbf16>
    %max3A_352 = arith.constant 0.000000e+00 : bf16
    %max3A_353 = vector.broadcast %max3A_352 : bf16 to vector<32x256x256xbf16>
    %max3A_354 = arith.maximumf %add3A_351, %max3A_353 : vector<32x256x256xbf16>
    %slice3A_355 = vector.extract_strided_slice %convert_element_type3A {offsets = [160, 0], sizes = [32, 256], strides = [1, 1]} : vector<256x256xbf16> to vector<32x256xbf16>
    %broadcast_in_dim3A_356 = vector.shape_cast %slice3A_355 : vector<32x256xbf16> to vector<32x256x1xbf16>
    %mul3A_357 = vector.broadcast %broadcast_in_dim3A_356 : vector<32x256x1xbf16> to vector<32x256x256xbf16>
    %mul3A_358 = arith.mulf %max3A_354, %mul3A_357 : vector<32x256x256xbf16>
    %convert_element_type3A_359 = arith.extf %mul3A_358 : vector<32x256x256xbf16> to vector<32x256x256xf32>
    %reduce_sum3A_360 = arith.constant dense<0.000000e+00> : vector<32x256xf32>
    %reduce_sum3A_361 = vector.multi_reduction <add>, %convert_element_type3A_359, %reduce_sum3A_360 [1] : vector<32x256x256xf32> to vector<32x256xf32>
    %slice3A_362 = vector.extract_strided_slice %convert_element_type3A_251 {offsets = [192, 0], sizes = [32, 256], strides = [1, 1]} : vector<256x256xbf16> to vector<32x256xbf16>
    %broadcast_in_dim3A_363 = vector.shape_cast %slice3A_362 : vector<32x256xbf16> to vector<32x1x256xbf16>
    %broadcast_in_dim3A_364 = vector.shape_cast %convert_element_type3A_265 : vector<256x256xbf16> to vector<1x256x256xbf16>
    %add3A_365 = vector.broadcast %broadcast_in_dim3A_363 : vector<32x1x256xbf16> to vector<32x256x256xbf16>
    %add3A_366 = vector.broadcast %broadcast_in_dim3A_364 : vector<1x256x256xbf16> to vector<32x256x256xbf16>
    %add3A_367 = arith.addf %add3A_365, %add3A_366 : vector<32x256x256xbf16>
    %max3A_368 = arith.constant 0.000000e+00 : bf16
    %max3A_369 = vector.broadcast %max3A_368 : bf16 to vector<32x256x256xbf16>
    %max3A_370 = arith.maximumf %add3A_367, %max3A_369 : vector<32x256x256xbf16>
    %slice3A_371 = vector.extract_strided_slice %convert_element_type3A {offsets = [192, 0], sizes = [32, 256], strides = [1, 1]} : vector<256x256xbf16> to vector<32x256xbf16>
    %broadcast_in_dim3A_372 = vector.shape_cast %slice3A_371 : vector<32x256xbf16> to vector<32x256x1xbf16>
    %mul3A_373 = vector.broadcast %broadcast_in_dim3A_372 : vector<32x256x1xbf16> to vector<32x256x256xbf16>
    %mul3A_374 = arith.mulf %max3A_370, %mul3A_373 : vector<32x256x256xbf16>
    %convert_element_type3A_375 = arith.extf %mul3A_374 : vector<32x256x256xbf16> to vector<32x256x256xf32>
    %reduce_sum3A_376 = arith.constant dense<0.000000e+00> : vector<32x256xf32>
    %reduce_sum3A_377 = vector.multi_reduction <add>, %convert_element_type3A_375, %reduce_sum3A_376 [1] : vector<32x256x256xf32> to vector<32x256xf32>
    %slice3A_378 = vector.extract_strided_slice %convert_element_type3A_251 {offsets = [224, 0], sizes = [32, 256], strides = [1, 1]} : vector<256x256xbf16> to vector<32x256xbf16>
    %broadcast_in_dim3A_379 = vector.shape_cast %slice3A_378 : vector<32x256xbf16> to vector<32x1x256xbf16>
    %broadcast_in_dim3A_380 = vector.shape_cast %convert_element_type3A_265 : vector<256x256xbf16> to vector<1x256x256xbf16>
    %add3A_381 = vector.broadcast %broadcast_in_dim3A_379 : vector<32x1x256xbf16> to vector<32x256x256xbf16>
    %add3A_382 = vector.broadcast %broadcast_in_dim3A_380 : vector<1x256x256xbf16> to vector<32x256x256xbf16>
    %add3A_383 = arith.addf %add3A_381, %add3A_382 : vector<32x256x256xbf16>
    %max3A_384 = arith.constant 0.000000e+00 : bf16
    %max3A_385 = vector.broadcast %max3A_384 : bf16 to vector<32x256x256xbf16>
    %max3A_386 = arith.maximumf %add3A_383, %max3A_385 : vector<32x256x256xbf16>
    %slice3A_387 = vector.extract_strided_slice %convert_element_type3A {offsets = [224, 0], sizes = [32, 256], strides = [1, 1]} : vector<256x256xbf16> to vector<32x256xbf16>
    %broadcast_in_dim3A_388 = vector.shape_cast %slice3A_387 : vector<32x256xbf16> to vector<32x256x1xbf16>
    %mul3A_389 = vector.broadcast %broadcast_in_dim3A_388 : vector<32x256x1xbf16> to vector<32x256x256xbf16>
    %mul3A_390 = arith.mulf %max3A_386, %mul3A_389 : vector<32x256x256xbf16>
    %convert_element_type3A_391 = arith.extf %mul3A_390 : vector<32x256x256xbf16> to vector<32x256x256xf32>
    %reduce_sum3A_392 = arith.constant dense<0.000000e+00> : vector<32x256xf32>
    %reduce_sum3A_393 = vector.multi_reduction <add>, %convert_element_type3A_391, %reduce_sum3A_392 [1] : vector<32x256x256xf32> to vector<32x256xf32>
    %concatenate3A_394 = tpu.concatenate %reduce_sum3A_281, %reduce_sum3A_297, %reduce_sum3A_313, %reduce_sum3A_329, %reduce_sum3A_345, %reduce_sum3A_361, %reduce_sum3A_377, %reduce_sum3A_393 in 0 : vector<32x256xf32>, vector<32x256xf32>, vector<32x256xf32>, vector<32x256xf32>, vector<32x256xf32>, vector<32x256xf32>, vector<32x256xf32>, vector<32x256xf32> -> vector<256x256xf32>
    %div3A_395 = vector.broadcast %max3A_95 : vector<256x1xf32> to vector<256x256xf32>
    %div3A_396 = arith.divf %concatenate3A_394, %div3A_395 : vector<256x256xf32>
    %add3A_397 = arith.addf %add3A_245, %div3A_396 : vector<256x256xf32>
    %get3A_398 = arith.constant 0 : index
    %get3A_399 = arith.constant 0 : index
    %get3A_400 = vector.load %arg9[%get3A_398, %get3A_399] : memref<256x256xf32, #tpu.memory_space<vmem>>, vector<256x256xf32>
    %dot_general3A_401 = arith.constant dense<0.000000e+00> : vector<256x256xf32>
    %dot_general3A_402 = tpu.matmul %add3A_397, %get3A_400, %dot_general3A_401 {dimension_numbers = #tpu.dot_dimension_numbers<[1], [0], [0], [1], [0, 0, 1, 1], [], []>, transpose_lhs_hint = false} : vector<256x256xf32>, vector<256x256xf32>, vector<256x256xf32> -> vector<256x256xf32>
    %convert_element_type3A_403 = arith.truncf %dot_general3A_402 : vector<256x256xf32> to vector<256x256xbf16>
    %get3A_404 = arith.constant 0 : index
    %get3A_405 = arith.constant 0 : index
    %get3A_406 = vector.load %arg1[%get3A_404, %get3A_405] : memref<256x256xf32, #tpu.memory_space<vmem>>, vector<256x256xf32>
    %get3A_407 = arith.constant 0 : index
    %get3A_408 = arith.constant 0 : index
    %get3A_409 = vector.load %arg10[%get3A_407, %get3A_408] : memref<256x256xf32, #tpu.memory_space<vmem>>, vector<256x256xf32>
    %dot_general3A_410 = arith.constant dense<0.000000e+00> : vector<256x256xf32>
    %dot_general3A_411 = tpu.matmul %get3A_406, %get3A_409, %dot_general3A_410 {dimension_numbers = #tpu.dot_dimension_numbers<[1], [0], [0], [1], [0, 0, 1, 1], [], []>, transpose_lhs_hint = false} : vector<256x256xf32>, vector<256x256xf32>, vector<256x256xf32> -> vector<256x256xf32>
    %get3A_412 = arith.constant 0 : index
    %get3A_413 = arith.constant 0 : index
    %get3A_414 = vector.load %arg11[%get3A_412, %get3A_413] : memref<1x256xf32, #tpu.memory_space<vmem>>, vector<1x256xf32>
    %add3A_415 = vector.broadcast %get3A_414 : vector<1x256xf32> to vector<256x256xf32>
    %add3A_416 = arith.addf %dot_general3A_411, %add3A_415 : vector<256x256xf32>
    %convert_element_type3A_417 = arith.truncf %add3A_416 : vector<256x256xf32> to vector<256x256xbf16>
    %slice3A_418 = vector.extract_strided_slice %convert_element_type3A_403 {offsets = [0, 0], sizes = [32, 256], strides = [1, 1]} : vector<256x256xbf16> to vector<32x256xbf16>
    %broadcast_in_dim3A_419 = vector.shape_cast %slice3A_418 : vector<32x256xbf16> to vector<32x1x256xbf16>
    %broadcast_in_dim3A_420 = vector.shape_cast %convert_element_type3A_417 : vector<256x256xbf16> to vector<1x256x256xbf16>
    %add3A_421 = vector.broadcast %broadcast_in_dim3A_419 : vector<32x1x256xbf16> to vector<32x256x256xbf16>
    %add3A_422 = vector.broadcast %broadcast_in_dim3A_420 : vector<1x256x256xbf16> to vector<32x256x256xbf16>
    %add3A_423 = arith.addf %add3A_421, %add3A_422 : vector<32x256x256xbf16>
    %max3A_424 = arith.constant 0.000000e+00 : bf16
    %max3A_425 = vector.broadcast %max3A_424 : bf16 to vector<32x256x256xbf16>
    %max3A_426 = arith.maximumf %add3A_423, %max3A_425 : vector<32x256x256xbf16>
    %slice3A_427 = vector.extract_strided_slice %convert_element_type3A {offsets = [0, 0], sizes = [32, 256], strides = [1, 1]} : vector<256x256xbf16> to vector<32x256xbf16>
    %broadcast_in_dim3A_428 = vector.shape_cast %slice3A_427 : vector<32x256xbf16> to vector<32x256x1xbf16>
    %mul3A_429 = vector.broadcast %broadcast_in_dim3A_428 : vector<32x256x1xbf16> to vector<32x256x256xbf16>
    %mul3A_430 = arith.mulf %max3A_426, %mul3A_429 : vector<32x256x256xbf16>
    %convert_element_type3A_431 = arith.extf %mul3A_430 : vector<32x256x256xbf16> to vector<32x256x256xf32>
    %reduce_sum3A_432 = arith.constant dense<0.000000e+00> : vector<32x256xf32>
    %reduce_sum3A_433 = vector.multi_reduction <add>, %convert_element_type3A_431, %reduce_sum3A_432 [1] : vector<32x256x256xf32> to vector<32x256xf32>
    %slice3A_434 = vector.extract_strided_slice %convert_element_type3A_403 {offsets = [32, 0], sizes = [32, 256], strides = [1, 1]} : vector<256x256xbf16> to vector<32x256xbf16>
    %broadcast_in_dim3A_435 = vector.shape_cast %slice3A_434 : vector<32x256xbf16> to vector<32x1x256xbf16>
    %broadcast_in_dim3A_436 = vector.shape_cast %convert_element_type3A_417 : vector<256x256xbf16> to vector<1x256x256xbf16>
    %add3A_437 = vector.broadcast %broadcast_in_dim3A_435 : vector<32x1x256xbf16> to vector<32x256x256xbf16>
    %add3A_438 = vector.broadcast %broadcast_in_dim3A_436 : vector<1x256x256xbf16> to vector<32x256x256xbf16>
    %add3A_439 = arith.addf %add3A_437, %add3A_438 : vector<32x256x256xbf16>
    %max3A_440 = arith.constant 0.000000e+00 : bf16
    %max3A_441 = vector.broadcast %max3A_440 : bf16 to vector<32x256x256xbf16>
    %max3A_442 = arith.maximumf %add3A_439, %max3A_441 : vector<32x256x256xbf16>
    %slice3A_443 = vector.extract_strided_slice %convert_element_type3A {offsets = [32, 0], sizes = [32, 256], strides = [1, 1]} : vector<256x256xbf16> to vector<32x256xbf16>
    %broadcast_in_dim3A_444 = vector.shape_cast %slice3A_443 : vector<32x256xbf16> to vector<32x256x1xbf16>
    %mul3A_445 = vector.broadcast %broadcast_in_dim3A_444 : vector<32x256x1xbf16> to vector<32x256x256xbf16>
    %mul3A_446 = arith.mulf %max3A_442, %mul3A_445 : vector<32x256x256xbf16>
    %convert_element_type3A_447 = arith.extf %mul3A_446 : vector<32x256x256xbf16> to vector<32x256x256xf32>
    %reduce_sum3A_448 = arith.constant dense<0.000000e+00> : vector<32x256xf32>
    %reduce_sum3A_449 = vector.multi_reduction <add>, %convert_element_type3A_447, %reduce_sum3A_448 [1] : vector<32x256x256xf32> to vector<32x256xf32>
    %slice3A_450 = vector.extract_strided_slice %convert_element_type3A_403 {offsets = [64, 0], sizes = [32, 256], strides = [1, 1]} : vector<256x256xbf16> to vector<32x256xbf16>
    %broadcast_in_dim3A_451 = vector.shape_cast %slice3A_450 : vector<32x256xbf16> to vector<32x1x256xbf16>
    %broadcast_in_dim3A_452 = vector.shape_cast %convert_element_type3A_417 : vector<256x256xbf16> to vector<1x256x256xbf16>
    %add3A_453 = vector.broadcast %broadcast_in_dim3A_451 : vector<32x1x256xbf16> to vector<32x256x256xbf16>
    %add3A_454 = vector.broadcast %broadcast_in_dim3A_452 : vector<1x256x256xbf16> to vector<32x256x256xbf16>
    %add3A_455 = arith.addf %add3A_453, %add3A_454 : vector<32x256x256xbf16>
    %max3A_456 = arith.constant 0.000000e+00 : bf16
    %max3A_457 = vector.broadcast %max3A_456 : bf16 to vector<32x256x256xbf16>
    %max3A_458 = arith.maximumf %add3A_455, %max3A_457 : vector<32x256x256xbf16>
    %slice3A_459 = vector.extract_strided_slice %convert_element_type3A {offsets = [64, 0], sizes = [32, 256], strides = [1, 1]} : vector<256x256xbf16> to vector<32x256xbf16>
    %broadcast_in_dim3A_460 = vector.shape_cast %slice3A_459 : vector<32x256xbf16> to vector<32x256x1xbf16>
    %mul3A_461 = vector.broadcast %broadcast_in_dim3A_460 : vector<32x256x1xbf16> to vector<32x256x256xbf16>
    %mul3A_462 = arith.mulf %max3A_458, %mul3A_461 : vector<32x256x256xbf16>
    %convert_element_type3A_463 = arith.extf %mul3A_462 : vector<32x256x256xbf16> to vector<32x256x256xf32>
    %reduce_sum3A_464 = arith.constant dense<0.000000e+00> : vector<32x256xf32>
    %reduce_sum3A_465 = vector.multi_reduction <add>, %convert_element_type3A_463, %reduce_sum3A_464 [1] : vector<32x256x256xf32> to vector<32x256xf32>
    %slice3A_466 = vector.extract_strided_slice %convert_element_type3A_403 {offsets = [96, 0], sizes = [32, 256], strides = [1, 1]} : vector<256x256xbf16> to vector<32x256xbf16>
    %broadcast_in_dim3A_467 = vector.shape_cast %slice3A_466 : vector<32x256xbf16> to vector<32x1x256xbf16>
    %broadcast_in_dim3A_468 = vector.shape_cast %convert_element_type3A_417 : vector<256x256xbf16> to vector<1x256x256xbf16>
    %add3A_469 = vector.broadcast %broadcast_in_dim3A_467 : vector<32x1x256xbf16> to vector<32x256x256xbf16>
    %add3A_470 = vector.broadcast %broadcast_in_dim3A_468 : vector<1x256x256xbf16> to vector<32x256x256xbf16>
    %add3A_471 = arith.addf %add3A_469, %add3A_470 : vector<32x256x256xbf16>
    %max3A_472 = arith.constant 0.000000e+00 : bf16
    %max3A_473 = vector.broadcast %max3A_472 : bf16 to vector<32x256x256xbf16>
    %max3A_474 = arith.maximumf %add3A_471, %max3A_473 : vector<32x256x256xbf16>
    %slice3A_475 = vector.extract_strided_slice %convert_element_type3A {offsets = [96, 0], sizes = [32, 256], strides = [1, 1]} : vector<256x256xbf16> to vector<32x256xbf16>
    %broadcast_in_dim3A_476 = vector.shape_cast %slice3A_475 : vector<32x256xbf16> to vector<32x256x1xbf16>
    %mul3A_477 = vector.broadcast %broadcast_in_dim3A_476 : vector<32x256x1xbf16> to vector<32x256x256xbf16>
    %mul3A_478 = arith.mulf %max3A_474, %mul3A_477 : vector<32x256x256xbf16>
    %convert_element_type3A_479 = arith.extf %mul3A_478 : vector<32x256x256xbf16> to vector<32x256x256xf32>
    %reduce_sum3A_480 = arith.constant dense<0.000000e+00> : vector<32x256xf32>
    %reduce_sum3A_481 = vector.multi_reduction <add>, %convert_element_type3A_479, %reduce_sum3A_480 [1] : vector<32x256x256xf32> to vector<32x256xf32>
    %slice3A_482 = vector.extract_strided_slice %convert_element_type3A_403 {offsets = [128, 0], sizes = [32, 256], strides = [1, 1]} : vector<256x256xbf16> to vector<32x256xbf16>
    %broadcast_in_dim3A_483 = vector.shape_cast %slice3A_482 : vector<32x256xbf16> to vector<32x1x256xbf16>
    %broadcast_in_dim3A_484 = vector.shape_cast %convert_element_type3A_417 : vector<256x256xbf16> to vector<1x256x256xbf16>
    %add3A_485 = vector.broadcast %broadcast_in_dim3A_483 : vector<32x1x256xbf16> to vector<32x256x256xbf16>
    %add3A_486 = vector.broadcast %broadcast_in_dim3A_484 : vector<1x256x256xbf16> to vector<32x256x256xbf16>
    %add3A_487 = arith.addf %add3A_485, %add3A_486 : vector<32x256x256xbf16>
    %max3A_488 = arith.constant 0.000000e+00 : bf16
    %max3A_489 = vector.broadcast %max3A_488 : bf16 to vector<32x256x256xbf16>
    %max3A_490 = arith.maximumf %add3A_487, %max3A_489 : vector<32x256x256xbf16>
    %slice3A_491 = vector.extract_strided_slice %convert_element_type3A {offsets = [128, 0], sizes = [32, 256], strides = [1, 1]} : vector<256x256xbf16> to vector<32x256xbf16>
    %broadcast_in_dim3A_492 = vector.shape_cast %slice3A_491 : vector<32x256xbf16> to vector<32x256x1xbf16>
    %mul3A_493 = vector.broadcast %broadcast_in_dim3A_492 : vector<32x256x1xbf16> to vector<32x256x256xbf16>
    %mul3A_494 = arith.mulf %max3A_490, %mul3A_493 : vector<32x256x256xbf16>
    %convert_element_type3A_495 = arith.extf %mul3A_494 : vector<32x256x256xbf16> to vector<32x256x256xf32>
    %reduce_sum3A_496 = arith.constant dense<0.000000e+00> : vector<32x256xf32>
    %reduce_sum3A_497 = vector.multi_reduction <add>, %convert_element_type3A_495, %reduce_sum3A_496 [1] : vector<32x256x256xf32> to vector<32x256xf32>
    %slice3A_498 = vector.extract_strided_slice %convert_element_type3A_403 {offsets = [160, 0], sizes = [32, 256], strides = [1, 1]} : vector<256x256xbf16> to vector<32x256xbf16>
    %broadcast_in_dim3A_499 = vector.shape_cast %slice3A_498 : vector<32x256xbf16> to vector<32x1x256xbf16>
    %broadcast_in_dim3A_500 = vector.shape_cast %convert_element_type3A_417 : vector<256x256xbf16> to vector<1x256x256xbf16>
    %add3A_501 = vector.broadcast %broadcast_in_dim3A_499 : vector<32x1x256xbf16> to vector<32x256x256xbf16>
    %add3A_502 = vector.broadcast %broadcast_in_dim3A_500 : vector<1x256x256xbf16> to vector<32x256x256xbf16>
    %add3A_503 = arith.addf %add3A_501, %add3A_502 : vector<32x256x256xbf16>
    %max3A_504 = arith.constant 0.000000e+00 : bf16
    %max3A_505 = vector.broadcast %max3A_504 : bf16 to vector<32x256x256xbf16>
    %max3A_506 = arith.maximumf %add3A_503, %max3A_505 : vector<32x256x256xbf16>
    %slice3A_507 = vector.extract_strided_slice %convert_element_type3A {offsets = [160, 0], sizes = [32, 256], strides = [1, 1]} : vector<256x256xbf16> to vector<32x256xbf16>
    %broadcast_in_dim3A_508 = vector.shape_cast %slice3A_507 : vector<32x256xbf16> to vector<32x256x1xbf16>
    %mul3A_509 = vector.broadcast %broadcast_in_dim3A_508 : vector<32x256x1xbf16> to vector<32x256x256xbf16>
    %mul3A_510 = arith.mulf %max3A_506, %mul3A_509 : vector<32x256x256xbf16>
    %convert_element_type3A_511 = arith.extf %mul3A_510 : vector<32x256x256xbf16> to vector<32x256x256xf32>
    %reduce_sum3A_512 = arith.constant dense<0.000000e+00> : vector<32x256xf32>
    %reduce_sum3A_513 = vector.multi_reduction <add>, %convert_element_type3A_511, %reduce_sum3A_512 [1] : vector<32x256x256xf32> to vector<32x256xf32>
    %slice3A_514 = vector.extract_strided_slice %convert_element_type3A_403 {offsets = [192, 0], sizes = [32, 256], strides = [1, 1]} : vector<256x256xbf16> to vector<32x256xbf16>
    %broadcast_in_dim3A_515 = vector.shape_cast %slice3A_514 : vector<32x256xbf16> to vector<32x1x256xbf16>
    %broadcast_in_dim3A_516 = vector.shape_cast %convert_element_type3A_417 : vector<256x256xbf16> to vector<1x256x256xbf16>
    %add3A_517 = vector.broadcast %broadcast_in_dim3A_515 : vector<32x1x256xbf16> to vector<32x256x256xbf16>
    %add3A_518 = vector.broadcast %broadcast_in_dim3A_516 : vector<1x256x256xbf16> to vector<32x256x256xbf16>
    %add3A_519 = arith.addf %add3A_517, %add3A_518 : vector<32x256x256xbf16>
    %max3A_520 = arith.constant 0.000000e+00 : bf16
    %max3A_521 = vector.broadcast %max3A_520 : bf16 to vector<32x256x256xbf16>
    %max3A_522 = arith.maximumf %add3A_519, %max3A_521 : vector<32x256x256xbf16>
    %slice3A_523 = vector.extract_strided_slice %convert_element_type3A {offsets = [192, 0], sizes = [32, 256], strides = [1, 1]} : vector<256x256xbf16> to vector<32x256xbf16>
    %broadcast_in_dim3A_524 = vector.shape_cast %slice3A_523 : vector<32x256xbf16> to vector<32x256x1xbf16>
    %mul3A_525 = vector.broadcast %broadcast_in_dim3A_524 : vector<32x256x1xbf16> to vector<32x256x256xbf16>
    %mul3A_526 = arith.mulf %max3A_522, %mul3A_525 : vector<32x256x256xbf16>
    %convert_element_type3A_527 = arith.extf %mul3A_526 : vector<32x256x256xbf16> to vector<32x256x256xf32>
    %reduce_sum3A_528 = arith.constant dense<0.000000e+00> : vector<32x256xf32>
    %reduce_sum3A_529 = vector.multi_reduction <add>, %convert_element_type3A_527, %reduce_sum3A_528 [1] : vector<32x256x256xf32> to vector<32x256xf32>
    %slice3A_530 = vector.extract_strided_slice %convert_element_type3A_403 {offsets = [224, 0], sizes = [32, 256], strides = [1, 1]} : vector<256x256xbf16> to vector<32x256xbf16>
    %broadcast_in_dim3A_531 = vector.shape_cast %slice3A_530 : vector<32x256xbf16> to vector<32x1x256xbf16>
    %broadcast_in_dim3A_532 = vector.shape_cast %convert_element_type3A_417 : vector<256x256xbf16> to vector<1x256x256xbf16>
    %add3A_533 = vector.broadcast %broadcast_in_dim3A_531 : vector<32x1x256xbf16> to vector<32x256x256xbf16>
    %add3A_534 = vector.broadcast %broadcast_in_dim3A_532 : vector<1x256x256xbf16> to vector<32x256x256xbf16>
    %add3A_535 = arith.addf %add3A_533, %add3A_534 : vector<32x256x256xbf16>
    %max3A_536 = arith.constant 0.000000e+00 : bf16
    %max3A_537 = vector.broadcast %max3A_536 : bf16 to vector<32x256x256xbf16>
    %max3A_538 = arith.maximumf %add3A_535, %max3A_537 : vector<32x256x256xbf16>
    %slice3A_539 = vector.extract_strided_slice %convert_element_type3A {offsets = [224, 0], sizes = [32, 256], strides = [1, 1]} : vector<256x256xbf16> to vector<32x256xbf16>
    %broadcast_in_dim3A_540 = vector.shape_cast %slice3A_539 : vector<32x256xbf16> to vector<32x256x1xbf16>
    %mul3A_541 = vector.broadcast %broadcast_in_dim3A_540 : vector<32x256x1xbf16> to vector<32x256x256xbf16>
    %mul3A_542 = arith.mulf %max3A_538, %mul3A_541 : vector<32x256x256xbf16>
    %convert_element_type3A_543 = arith.extf %mul3A_542 : vector<32x256x256xbf16> to vector<32x256x256xf32>
    %reduce_sum3A_544 = arith.constant dense<0.000000e+00> : vector<32x256xf32>
    %reduce_sum3A_545 = vector.multi_reduction <add>, %convert_element_type3A_543, %reduce_sum3A_544 [1] : vector<32x256x256xf32> to vector<32x256xf32>
    %concatenate3A_546 = tpu.concatenate %reduce_sum3A_433, %reduce_sum3A_449, %reduce_sum3A_465, %reduce_sum3A_481, %reduce_sum3A_497, %reduce_sum3A_513, %reduce_sum3A_529, %reduce_sum3A_545 in 0 : vector<32x256xf32>, vector<32x256xf32>, vector<32x256xf32>, vector<32x256xf32>, vector<32x256xf32>, vector<32x256xf32>, vector<32x256xf32>, vector<32x256xf32> -> vector<256x256xf32>
    %div3A_547 = vector.broadcast %max3A_95 : vector<256x1xf32> to vector<256x256xf32>
    %div3A_548 = arith.divf %concatenate3A_546, %div3A_547 : vector<256x256xf32>
    %add3A_549 = arith.addf %add3A_397, %div3A_548 : vector<256x256xf32>
    %swap3A = arith.constant 0 : index
    %swap3A_550 = arith.constant 0 : index
    %swap3A_551 = vector.load %arg15[%swap3A, %swap3A_550] : memref<512x256xf32, #tpu.memory_space<vmem>>, vector<256x256xf32>
    tpu.vector_store %arg15[%swap3A, %swap3A_550], %add3A_549 {strides = array<i32>} : memref<512x256xf32, #tpu.memory_space<vmem>>, vector<256x256xf32>,
    %get3A_552 = arith.constant 256 : index
    %get3A_553 = arith.constant 0 : index
    %get3A_554 = vector.load %arg0[%get3A_552, %get3A_553] : memref<512x256xf32, #tpu.memory_space<vmem>>, vector<256x256xf32>
    %swap3A_555 = arith.constant 256 : index
    %swap3A_556 = arith.constant 0 : index
    %swap3A_557 = vector.load %arg15[%swap3A_555, %swap3A_556] : memref<512x256xf32, #tpu.memory_space<vmem>>, vector<256x256xf32>
    tpu.vector_store %arg15[%swap3A_555, %swap3A_556], %get3A_554 {strides = array<i32>} : memref<512x256xf32, #tpu.memory_space<vmem>>, vector<256x256xf32>,
    %get3A_558 = arith.constant 0 : index
    %get3A_559 = arith.constant 0 : index
    %get3A_560 = vector.load %arg15[%get3A_558, %get3A_559] : memref<512x256xf32, #tpu.memory_space<vmem>>, vector<512x256xf32>
    %get3A_561 = arith.constant 0 : index
    %get3A_562 = arith.constant 0 : index
    %get3A_563 = vector.load %arg12[%get3A_561, %get3A_562] : memref<256x256xf32, #tpu.memory_space<vmem>>, vector<256x256xf32>
    %dot_general3A_564 = arith.constant dense<0.000000e+00> : vector<512x256xf32>
    %dot_general3A_565 = tpu.matmul %get3A_560, %get3A_563, %dot_general3A_564 {dimension_numbers = #tpu.dot_dimension_numbers<[1], [0], [0], [1], [0, 0, 1, 1], [], []>, transpose_lhs_hint = false} : vector<512x256xf32>, vector<256x256xf32>, vector<512x256xf32> -> vector<512x256xf32>
    %get3A_566 = arith.constant 0 : index
    %get3A_567 = arith.constant 0 : index
    %get3A_568 = vector.load %arg14[%get3A_566, %get3A_567] : memref<1x256xf32, #tpu.memory_space<vmem>>, vector<1x256xf32>
    %add3A_569 = vector.broadcast %get3A_568 : vector<1x256xf32> to vector<512x256xf32>
    %add3A_570 = arith.addf %dot_general3A_565, %add3A_569 : vector<512x256xf32>
    %swap3A_571 = arith.constant 0 : index
    %swap3A_572 = arith.constant 0 : index
    %swap3A_573 = vector.load %arg16[%swap3A_571, %swap3A_572] : memref<512x256xf32, #tpu.memory_space<vmem>>, vector<512x256xf32>
    tpu.vector_store %arg16[%swap3A_571, %swap3A_572], %add3A_570 {strides = array<i32>} : memref<512x256xf32, #tpu.memory_space<vmem>>, vector<512x256xf32>,
    %get3A_574 = arith.constant 0 : index
    %get3A_575 = arith.constant 0 : index
    %get3A_576 = vector.load %arg1[%get3A_574, %get3A_575] : memref<256x256xf32, #tpu.memory_space<vmem>>, vector<256x256xf32>
    %get3A_577 = arith.constant 0 : index
    %get3A_578 = arith.constant 0 : index
    %get3A_579 = vector.load %arg13[%get3A_577, %get3A_578] : memref<256x256xf32, #tpu.memory_space<vmem>>, vector<256x256xf32>
    %dot_general3A_580 = arith.constant dense<0.000000e+00> : vector<256x256xf32>
    %dot_general3A_581 = tpu.matmul %get3A_576, %get3A_579, %dot_general3A_580 {dimension_numbers = #tpu.dot_dimension_numbers<[1], [0], [0], [1], [0, 0, 1, 1], [], []>, transpose_lhs_hint = false} : vector<256x256xf32>, vector<256x256xf32>, vector<256x256xf32> -> vector<256x256xf32>
    %swap3A_582 = arith.constant 0 : index
    %swap3A_583 = arith.constant 0 : index
    %swap3A_584 = vector.load %arg17[%swap3A_582, %swap3A_583] : memref<256x256xf32, #tpu.memory_space<vmem>>, vector<256x256xf32>
    tpu.vector_store %arg17[%swap3A_582, %swap3A_583], %dot_general3A_581 {strides = array<i32>} : memref<256x256xf32, #tpu.memory_space<vmem>>, vector<256x256xf32>,
    return
  }
}

</mosaic_0001>

<sc_bundles>
// kernel: kernel.6.cloned.1.call-start
scs
__scs_entry_jumppad:
0x0: {  	(pc) =	sbr.rel $0x88, $3  }
0x1: {  	(tag) =	ssettag $0x0;
	lr =	simm.s32 $0x1  }
0x2: {  	[smem:$0x3F8A] =	sst lr;
	_ =	strace $0xD0000000  }
0x3: {  	_ = 	snop  }
0x4: {  	_ = 	snop  }
0x5: {  	_ = 	snop  }
0x6: {  	_ = 	snop  }
0x7: {  	_ = 	snop  }
__scs_overlays_trampoline_lowered:
0x8: {  	[smem:$0x3F99] =	sst s0  }
0x9: {  	[smem:$0x3F9A] =	sst s1  }
0xa: {  	[smem:$0x3F9B] =	sst s2  }
0xb: {  	[smem:$0x3F9C] =	sst s3  }
0xc: {  	[smem:$0x3F9D] =	sst s4  }
0xd: {  	[smem:$0x3F9E] =	sst s5  }
0xe: {  	[smem:$0x3F9F] =	sst s6  }
0xf: {  	[smem:$0x3FA0] =	sst s7  }
0x10: {  	[smem:$0x3FA1] =	sst s8  }
0x11: {  	[smem:$0x3FA2] =	sst s9;
	s0 =	simm.s32 @!p0 $0x0  }
0x12: {  	s1 =	sld [smem:$0x3F88];
	s0 =	simm.s32 @p0 $0x1  }
0x13: {  	[smem:$0x3FA3] =	sst s0;
	s0 =	simm.s32 @!p1 $0x0  }
0x14: {  	s2 =	sld [smem:$0x3F87];
	s0 =	simm.s32 @p1 $0x1  }
0x15: {  	[smem:$0x3FA4] =	sst s0;
	s0 =	simm.s32 @!p2 $0x0  }
0x16: {  	s3 =	sld [smem:$0x3FDB];
	s0 =	simm.s32 @p2 $0x1  }
0x17: {  	s4 =	simm.s32 $0x1BF5;
	[smem:$0x3FA6] =	sst s0  }
0x18: {  	s0 =	sld [smem:$0x3F89];
	_ =	swait.ge [sflag:s4], $0x0  }
0x19: {  	s7 =	sld [smem:$0x3F8A]  }
0x1a: {  	s8 =	sadd.s32 $0xFFFFE003, lr  }
0x1b: {  	s9 =	sadd.s32 $0xFFFFFEF7, lr;
	s5 =	simm.s32 $0xFFFFFFFF;
	p2 =	slt.u32 s8, $0xFFFFF086  }
0x1c: {  	p1 =	slt.u32 s9, $0xF7A;
	s5 =	simm.s32 @!p2 $0x0  }
0x1d: {  	s5 =	simm.s32 @p1 $0x1;
	p0 =	seq.s32 s7, s2  }
0x1e: {  	s7 =	smul.u32 @!p0 $0xF7A, s2;
	p2 =	seq.s32 @!p0 s5, $0x0  }
0x1f: {  	s9 =	smul.u32 $0xF7A, s1;
	s8 =	simm.s32 @!p0 $0x1BF5;
	p2 =	por !p2, p0  }
0x20: {  	[sflag:s8] =	ssyncset.s32 @!p0 $0xFFFFF086;
	s6 =	sadd.s32 @!p0 s3, s7;
	s7 =	simm.s32 @!p0 $0x108  }
0x21: {  	s3 =	sadd.s32 s3, s9;
	s6 =	sadd.s32 @!p0 $0x88, s6;
	s7 =	simm.s32 @p2 $0x1082  }
0x22: {  	[simem:s7], [sflag:s8] =	dma.local @!p0 [hbm:s6], $0xF7A  }
0x23: {  	s9 =	sor.u32 $0xD0000000, s2;
	s6 =	simm.s32 $0x108;
	_ =	swait.ge @!p0 [sflag:s8], $0x0  }
0x24: {  	s3 =	sadd.s32 $0x88, s3;
	s6 =	simm.s32 @!p1 $0x1082;
	[sflag:s4] =	ssyncset.s32 $0xFFFFF086  }
0x25: {  	[simem:s6], [sflag:s4] =	dma.local [hbm:s3], $0xF7A  }
0x26: {  	[smem:$0x3F8A] =	sst s1;
	(tag) =	ssettag s2;
	_ =	strace s9  }
0x27: {  	s1 =	sld [smem:$0x3F9A]  }
0x28: {  	s2 =	sld [smem:$0x3F9B]  }
0x29: {  	s4 =	sld [smem:$0x3F9D]  }
0x2a: {  	p0 =	seq.s32 s5, $0x0;
	s5 =	sld [smem:$0x3F9E]  }
0x2b: {  	s6 =	sld [smem:$0x3F9F]  }
0x2c: {  	s7 =	sld [smem:$0x3FA0]  }
0x2d: {  	s3 =	simm.s32 $0x108;
	s8 =	sld [smem:$0x3FA1]  }
0x2e: {  	s3 =	simm.s32 @!p0 $0x1082;
	s9 =	sld [smem:$0x3FA2]  }
0x2f: {  	lr =	sadd.s32 s0, s3;
	s0 =	sld [smem:$0x3F99]  }
0x30: {  	s3 =	sld [smem:$0x3F9C]  }
0x31: {  	[smem:$0x3FA5] =	sst s10  }
0x32: {  	s10 =	sld [smem:$0x3FA3];
	_ =	sdelay $0x3  }
0x33: {  	p0 =	seq.s32 s10, $0x1;
	s10 =	sld [smem:$0x3FA5];
	_ =	sdelay $0x3  }
0x34: {  	[smem:$0x3FA5] =	sst s10  }
0x35: {  	s10 =	sld [smem:$0x3FA4];
	_ =	sdelay $0x3  }
0x36: {  	p1 =	seq.s32 s10, $0x1;
	s10 =	sld [smem:$0x3FA5];
	_ =	sdelay $0x3  }
0x37: {  	[smem:$0x3FA5] =	sst s10  }
0x38: {  	s10 =	sld [smem:$0x3FA6]  }
0x39: {  	_ = 	snop;
	(pc) =	sbr.ind lr, $3  }
0x3a: {  	_ = 	snop  }
0x3b: {  	_ = 	snop  }
0x3c: {  	p2 =	seq.s32 s10, $0x1;
	s10 =	sld [smem:$0x3FA5]  }
0x3d: {  	_ =	shalt  }
0x3e: {  	_ =	shalt  }
0x3f: {  	_ =	shalt  }
0x40: {  	_ =	shalt  }
0x41: {  	_ =	shalt  }
0x42: {  	_ =	shalt  }
0x43: {  	_ =	shalt  }
0x44: {  	_ =	shalt  }
0x45: {  	_ =	shalt  }
0x46: {  	_ =	shalt  }
0x47: {  	_ =	shalt  }
0x48: {  	_ =	shalt  }
0x49: {  	_ =	shalt  }
0x4a: {  	_ =	shalt  }
0x4b: {  	_ =	shalt  }
0x4c: {  	_ =	shalt  }
0x4d: {  	_ =	shalt  }
0x4e: {  	_ =	shalt  }
0x4f: {  	_ =	shalt  }
0x50: {  	_ =	shalt  }
0x51: {  	_ =	shalt  }
0x52: {  	_ =	shalt  }
0x53: {  	_ =	shalt  }
0x54: {  	_ =	shalt  }
0x55: {  	_ =	shalt  }
0x56: {  	_ =	shalt  }
0x57: {  	_ =	shalt  }
0x58: {  	_ =	shalt  }
0x59: {  	_ =	shalt  }
0x5a: {  	_ =	shalt  }
0x5b: {  	_ =	shalt  }
0x5c: {  	_ =	shalt  }
0x5d: {  	_ =	shalt  }
0x5e: {  	_ =	shalt  }
0x5f: {  	_ =	shalt  }
0x60: {  	_ =	shalt  }
0x61: {  	_ =	shalt  }
0x62: {  	_ =	shalt  }
0x63: {  	_ =	shalt  }
0x64: {  	_ =	shalt  }
0x65: {  	_ =	shalt  }
0x66: {  	_ =	shalt  }
0x67: {  	_ =	shalt  }
0x68: {  	_ =	shalt  }
0x69: {  	_ =	shalt  }
0x6a: {  	_ =	shalt  }
0x6b: {  	_ =	shalt  }
0x6c: {  	_ =	shalt  }
0x6d: {  	_ =	shalt  }
0x6e: {  	_ =	shalt  }
0x6f: {  	_ =	shalt  }
0x70: {  	_ =	shalt  }
0x71: {  	_ =	shalt  }
0x72: {  	_ =	shalt  }
0x73: {  	_ =	shalt  }
0x74: {  	_ =	shalt  }
0x75: {  	_ =	shalt  }
0x76: {  	_ =	shalt  }
0x77: {  	_ =	shalt  }
0x78: {  	_ =	shalt  }
0x79: {  	_ =	shalt  }
0x7a: {  	_ =	shalt  }
0x7b: {  	_ =	shalt  }
0x7c: {  	_ =	shalt  }
0x7d: {  	_ =	shalt  }
0x7e: {  	_ =	shalt  }
0x7f: {  	_ =	shalt  }
0x80: {  	_ =	shalt  }
0x81: {  	_ =	shalt  }
0x82: {  	_ =	shalt  }
0x83: {  	_ =	shalt  }
0x84: {  	_ =	shalt  }
0x85: {  	_ =	shalt  }
0x86: {  	_ =	shalt  }
0x87: {  	_ =	shalt  }
.Lfunc_end0:
.L_simem_size_0:
called_computation_lowered:
.L_overlay_start_0:
0x88: {  	s2 =	sld [smem:$0x3FD9]  }
0x89: {  	s3 =	sld [smem:$0x3FFE];
	_ =	sdelay $0x1  }
0x8a: {  	s1 =	srdreg.scid  }
0x8b: {  	s0 =	sand.u32 $0x1, s1  }
0x8c: {  	s17 =	sshll.u32 s0, $0xA;
	s2 =	sadd.s32 s3, s2  }
0x8d: {  	s2 =	sadd.s32 s2, s17  }
0x8e: {  	[smem:$0x3FB1] =	sst s2  }
0x8f: {  	_ = 	snop  }
0x90: {  	s2 =	sld [smem:$0x3FD0];
	(tm) =	ssettm $0x1  }
0x91: {  	s18 =	sld [smem:$0x3FFB];
	_ =	sdelay $0x3  }
0x92: {  	_ =	strace s18  }
0x93: {  	s3 =	sld [smem:$0x3FFC];
	_ =	sdelay $0x3  }
0x94: {  	_ =	strace s3  }
0x95: {  	s3 =	sld [smem:$0x3FFD];
	_ =	sdelay $0x3  }
0x96: {  	_ =	strace s3  }
0x97: {  	_ =	strace $0x8FFFFFFF  }
0x98: {  	s19 =	sld [smem:$0x3FDB];
	_ =	sdelay $0x1  }
0x99: {  	s4 =	simm.s32 $_scs_section_size  }
0x9a: {  	s5 =	simm.s32 $_size__tile_overlayer_lowered;
	s6 =	simm.s32 $_tile_overlayer_lowered  }
0x9b: {  	s22 =	simm.s32 $0x1BFF;
	s21 =	sshll.u32 s6, $0x1;
	s3 =	sadd.s32 s4, s19  }
0x9c: {  	s7 =	simm.s32 $0x0;
	s20 =	sshll.u32 s5, $0x1;
	s5 =	sadd.s32 s21, s3  }
0x9d: {  	[timem:s7], [sflag:s22] =	dma.local [hbm:s5], s20  }
0x9e: {  	_ =	swait.ge [sflag:s22], s20  }
0x9f: {  	s4 =	ssub.s32 $0x0, s20;
	[sflag:s22] =	ssyncset.done $0x0  }
0xa0: {  	[sflag:s22] =	ssyncadd.s32 s4;
	_ =	sdelay $0x1  }
0xa1: {  	s23 =	simm.s32 $0x1B8B  }
0xa2: {  	_ =	swait.ge [sflag:s23], $0x1  }
0xa3: {  	[sflag:s23] =	ssyncset.done $0x0  }
0xa4: {  	s25 =	simm.s32 $0x1B8E;
	s24 =	sld [smem:$0x3FFE];
	[sflag:s23] =	ssyncadd.s32 $0xFFFFFFFF  }
0xa5: {  	s26 =	simm.s32 $execute0_lowered;
	[smem:$0x3FD2] =	sst s25  }
0xa6: {  	s5 =	sshll.u32 s26, $0x1;
	_ =	strace $0x80000046;
	[dreg:$0x1] =	wrdreg $0xFFFFFFFF  }
0xa7: {  	s28 =	simm.s32 $_size_execute0_lowered;
	s3 =	sadd.s32 s3, s5;
	[dreg:$0x0] =	wrdreg $0x0  }
0xa8: {  	s5 =	sshll.u32 s28, $0x1;
	[dreg:$0x2] =	wrdreg s3  }
0xa9: {  	[dreg:$0x3] =	wrdreg s5  }
0xaa: {  	[dreg:$0x4] =	wrdreg $0xC0  }
0xab: {  	_ =	task [dreg:s7], $0x5FFFF  }
0xac: {  	[dreg:$0x1] =	wrdreg $0xFFFFFFFF  }
0xad: {  	[dreg:$0x0] =	wrdreg $0x60  }
0xae: {  	[dreg:$0x2] =	wrdreg s24  }
0xaf: {  	[dreg:$0x3] =	wrdreg s2  }
0xb0: {  	[dreg:$0x4] =	wrdreg $0x9  }
0xb1: {  	_ =	task.clear_ibuf [dreg:s7], $0x5FFFF;
	_ =	strace $0x90000046  }
0xb2: {  	s29 =	simm.s32 $0x9;
	_ =	strace $0x80000048  }
0xb3: {  	_ =	swait.ge [sflag:s29], $0x1  }
0xb4: {  	[sflag:s29] =	ssyncadd.s32 $0xFFFFFFFF  }
0xb5: {  	_ =	strace $0x90000048  }
0xb6: {  	_ =	sfence  }
0xb7: {  	s30 =	sld [smem:$0x0];
	_ =	sdelay $0x2  }
0xb8: {  	s31 =	sshll.u32 s1, $0xD;
	s1 =	sshrl.u32 s1, $0x2  }
0xb9: {  	s3 =	sand.u32 $0x4000, s31;
	s1 =	sadd.s32 s1, s30  }
0xba: {  	s0 =	sor.u32 s3, s0;
	s1 =	sshll.u32 s1, $0x11  }
0xbb: {  	s0 =	sor.u32 s1, s0  }
0xbc: {  	s0 =	sadd.s32 $0x8F2B, s0  }
0xbd: {  	[sflag:s0] =	ssyncadd.remote.s32 $0x1  }
0xbe: {  	_ =	sfence.sel $0xFFFF  }
0xbf: {  	[dreg:$0x0] =	wrdreg $0xFFFFFFFF;
	(pc) =	sbr.abs _section_cstart, $3  }
0xc0: {  	[dreg:$0x1] =	wrdreg $0xFFFFFFFF  }
0xc1: {  	_ =	task.clear_ibuf [dreg:s7], $0x2FFFF;
	_ =	strace $0x9FFFFFFF  }
0xc2: {  	(tm) =	ssettm $0x7FFFFFFF  }
0xc3: {  	_ =	shalt  }
tec
execute0_lowered:
.L_overlay_start_1:
0x0: {  	(tag) =	ssettag $0x1  }
0x1: {  	s3 =	rddreg [dreg:$0x0]  }
0x2: {  	s4 =	rddreg [dreg:$0x1]  }
0x3: {  	s0 =	rddreg [dreg:$0x2]  }
0x4: {  	s5 =	srdreg.scid;
	s1 =	stileid.u32  }
0x5: {  	s2 =	simm.s32 $0x0;
	s5 =	sand.u32 $0x1, s5;
	s6 =	sshll.u32 s1, $0x1  }
0x6: {  	v0 =	vimm.f32 $0.0e+00;
	v1 =	vimm.f32 $1.000000000e+00;
	s10 =	simm.s32 $0x0;
	[smem:$0x7FF] =	sst s2;
	s6 =	sor.u32 s5, s6  }
0x7: {  	vm0 =	vcmask $0x704;
	vm1 =	vcmask $0xB08;
	vm14 =	vcmask $0x3F3C;
	_ =	strace $0x80000047;
	s5 =	ssub.s32 $0x2, s5;
	s7 =	sshll.u32 s6, $0x6  }
0x8: {  	vm2 =	vcmask $0xF0C;
	vm3 =	vcmask $0x1310;
	vm4 =	vcmask $0x1714;
	s6 =	sshll.u32 s6, $0xD;
	s31 =	sshrl.u32 s5, $0x1;
	s8 =	sadd.s32 s7, s3  }
0x9: {  	vm5 =	vcmask $0x1B18;
	vm6 =	vcmask $0x1F1C;
	vm7 =	vcmask $0x2320;
	s6 =	sadd.s32 s6, s3;
	s9 =	ssub.s32 s5, s31;
	s4 =	sadd.s32 s4, s7  }
0xa: {  	vm8 =	vcmask $0x2724;
	vm9 =	vcmask $0x2B28;
	vm10 =	vcmask $0x2F2C;
	s7 =	simm.s32 $0x1;
	s3 =	sadd.s32 $0x3A00, s8;
	s5 =	sadd.s32 $0x4200, s6  }
0xb: {  	vm11 =	vcmask $0x3330;
	vm12 =	vcmask $0x3734;
	vm13 =	vcmask $0x3B38;
	s6 =	smax.u32 s9, $0x1;
	s8 =	simm.s32 $0x200;
	s9 =	simm.s32 $0x400  }
.LBB2_1:
0xc: {  	[tilespmem:s2], [sflag:$0x1] =	stream.linear.gather [hbm4b:s3+s2], $0x200, $0x38;
	[tilespmem:$0x10400] =	vst v63  }
0xd: {  	_ =	swait.ge [sflag:s7], $0x200  }
0xe: {  	[sflag:s7] =	ssyncset.done $0x0  }
0xf: {  	[sflag:s7] =	ssyncadd.s32 $0xFFFFFE00  }
0x10: {  	[tilespmem:s8], [sflag:$0x1] =	stream.linear.gather [hbm4b:s4+s2], $0x200, $0x38;
	[tilespmem:$0x10400] =	vst v63  }
0x11: {  	_ =	swait.ge [sflag:s7], $0x200  }
0x12: {  	[sflag:s7] =	ssyncset.done $0x0  }
0x13: {  	s11 =	simm.s32 $0x0;
	s12 =	simm.s32 $0x400;
	[sflag:s7] =	ssyncadd.s32 $0xFFFFFE00  }
.LBB2_2:
0x14: {  	p0 =	sne.s32 s12, $0x3FC00;
	[tilespmem:s11+$0x4F0] =	vst v0  }
0x15: {  	[tilespmem:s11+$0x400] =	vst v0  }
0x16: {  	[tilespmem:s11+$0x410] =	vst v0  }
0x17: {  	[tilespmem:s11+$0x420] =	vst v0  }
0x18: {  	[tilespmem:s11+$0x430] =	vst v0  }
0x19: {  	[tilespmem:s11+$0x440] =	vst v0  }
0x1a: {  	[tilespmem:s11+$0x450] =	vst v0  }
0x1b: {  	[tilespmem:s11+$0x460] =	vst v0  }
0x1c: {  	[tilespmem:s11+$0x470] =	vst v0  }
0x1d: {  	[tilespmem:s11+$0x480] =	vst v0  }
0x1e: {  	[tilespmem:s11+$0x490] =	vst v0  }
.Ltmp0:
0x1f: {  	[tilespmem:s11+$0x4A0] =	vst v0;
	(pc) =	sbr.rel @p0 .LBB2_2-.Ltmp0, $4  }
0x20: {  	[tilespmem:s11+$0x4B0] =	vst v0  }
0x21: {  	[tilespmem:s11+$0x4C0] =	vst v0  }
0x22: {  	[tilespmem:s11+$0x4D0] =	vst v0  }
0x23: {  	[tilespmem:s11+$0x4E0] =	vst v0;
	s11 =	sshra.s32 s12, $0x2;
	s12 =	sadd.s32 $0x400, s12  }
0x24: {  	[tilespmem:s11+$0x4F0] =	vst v0  }
0x25: {  	[tilespmem:s11+$0x400] =	vst v0  }
0x26: {  	[tilespmem:s11+$0x410] =	vst v0  }
0x27: {  	[tilespmem:s11+$0x420] =	vst v0  }
0x28: {  	[tilespmem:s11+$0x430] =	vst v0  }
0x29: {  	[tilespmem:s11+$0x440] =	vst v0  }
0x2a: {  	[tilespmem:s11+$0x450] =	vst v0  }
0x2b: {  	[tilespmem:s11+$0x460] =	vst v0  }
0x2c: {  	[tilespmem:s11+$0x470] =	vst v0  }
0x2d: {  	[tilespmem:s11+$0x480] =	vst v0  }
0x2e: {  	[tilespmem:s11+$0x490] =	vst v0  }
0x2f: {  	[tilespmem:s11+$0x4A0] =	vst v0  }
0x30: {  	[tilespmem:s11+$0x4B0] =	vst v0  }
0x31: {  	[tilespmem:s11+$0x4C0] =	vst v0  }
0x32: {  	[tilespmem:s11+$0x4D0] =	vst v0  }
0x33: {  	[tilespmem:s11+$0x4E0] =	vst v0;
	s31 =	simm.s32 $0x0  }
0x34: {  	v2 =	vld [tilespmem:s31+$0x0]  }
0x35: {  	v3 =	vld [tilespmem:s31+$0x200];
	_ =	sdelay $0x3  }
0x36: {  	v2 =	vshll.u32 v2, $0x8  }
0x37: {  	v2 =	vadd.s32 v3, v2;
	_ =	sdelay $0x4  }
0x38: {  	[tilespmem:v2+s9+$0x0] =	vst.idx.add.f32.msk $0x1, v1  }
0x39: {  	[tilespmem:v2+s9+$0x0] =	vst.idx.add.f32.msk vm0, v1  }
0x3a: {  	[tilespmem:v2+s9+$0x0] =	vst.idx.add.f32.msk vm1, v1  }
0x3b: {  	[tilespmem:v2+s9+$0x0] =	vst.idx.add.f32.msk vm2, v1  }
0x3c: {  	[tilespmem:v2+s9+$0x0] =	vst.idx.add.f32.msk vm3, v1  }
0x3d: {  	[tilespmem:v2+s9+$0x0] =	vst.idx.add.f32.msk vm4, v1  }
0x3e: {  	[tilespmem:v2+s9+$0x0] =	vst.idx.add.f32.msk vm5, v1  }
0x3f: {  	[tilespmem:v2+s9+$0x0] =	vst.idx.add.f32.msk vm6, v1  }
0x40: {  	[tilespmem:v2+s9+$0x0] =	vst.idx.add.f32.msk vm7, v1  }
0x41: {  	[tilespmem:v2+s9+$0x0] =	vst.idx.add.f32.msk vm8, v1  }
0x42: {  	[tilespmem:v2+s9+$0x0] =	vst.idx.add.f32.msk vm9, v1  }
0x43: {  	[tilespmem:v2+s9+$0x0] =	vst.idx.add.f32.msk vm10, v1  }
0x44: {  	[tilespmem:v2+s9+$0x0] =	vst.idx.add.f32.msk vm11, v1  }
0x45: {  	[tilespmem:v2+s9+$0x0] =	vst.idx.add.f32.msk vm12, v1  }
0x46: {  	s11 =	simm.s32 $0x40;
	s12 =	simm.s32 $0x80;
	[tilespmem:v2+s9+$0x0] =	vst.idx.add.f32.msk vm13, v1  }
.LBB2_4:
0x47: {  	p0 =	sne.s32 s12, $0x7C0  }
0x48: {  	s13 =	sshra.s32 s11, $0x2;
	[tilespmem:v2+s9+$0x0] =	vst.idx.add.f32.msk vm14, v1;
	s11 =	smov.u32 s12;
	s12 =	sadd.s32 $0x40, s12  }
0x49: {  	v2 =	vld [tilespmem:s13+$0x0]  }
0x4a: {  	v3 =	vld [tilespmem:s13+$0x200];
	_ =	sdelay $0x3  }
0x4b: {  	v2 =	vshll.u32 v2, $0x8  }
0x4c: {  	v2 =	vadd.s32 v3, v2;
	_ =	sdelay $0x4  }
0x4d: {  	[tilespmem:v2+s9+$0x0] =	vst.idx.add.f32.msk $0x1, v1  }
0x4e: {  	[tilespmem:v2+s9+$0x0] =	vst.idx.add.f32.msk vm0, v1  }
0x4f: {  	[tilespmem:v2+s9+$0x0] =	vst.idx.add.f32.msk vm1, v1  }
0x50: {  	[tilespmem:v2+s9+$0x0] =	vst.idx.add.f32.msk vm2, v1  }
0x51: {  	[tilespmem:v2+s9+$0x0] =	vst.idx.add.f32.msk vm3, v1  }
0x52: {  	[tilespmem:v2+s9+$0x0] =	vst.idx.add.f32.msk vm4, v1  }
0x53: {  	[tilespmem:v2+s9+$0x0] =	vst.idx.add.f32.msk vm5, v1  }
0x54: {  	[tilespmem:v2+s9+$0x0] =	vst.idx.add.f32.msk vm6, v1  }
0x55: {  	[tilespmem:v2+s9+$0x0] =	vst.idx.add.f32.msk vm7, v1  }
0x56: {  	[tilespmem:v2+s9+$0x0] =	vst.idx.add.f32.msk vm8, v1  }
.Ltmp1:
0x57: {  	[tilespmem:v2+s9+$0x0] =	vst.idx.add.f32.msk vm9, v1;
	(pc) =	sbr.rel @p0 .LBB2_4-.Ltmp1, $4  }
0x58: {  	[tilespmem:v2+s9+$0x0] =	vst.idx.add.f32.msk vm10, v1  }
0x59: {  	[tilespmem:v2+s9+$0x0] =	vst.idx.add.f32.msk vm11, v1  }
0x5a: {  	[tilespmem:v2+s9+$0x0] =	vst.idx.add.f32.msk vm12, v1  }
0x5b: {  	[tilespmem:v2+s9+$0x0] =	vst.idx.add.f32.msk vm13, v1  }
0x5c: {  	_ =	sdelay $0x4  }
0x5d: {  	s11 =	sshra.s32 s11, $0x2;
	[tilespmem:v2+s9+$0x0] =	vst.idx.add.f32.msk vm14, v1  }
0x5e: {  	v2 =	vld [tilespmem:s11+$0x0]  }
0x5f: {  	v3 =	vld [tilespmem:s11+$0x200];
	_ =	sdelay $0x3  }
0x60: {  	v2 =	vshll.u32 v2, $0x8  }
0x61: {  	v2 =	vadd.s32 v3, v2;
	_ =	sdelay $0x4  }
0x62: {  	[tilespmem:v2+s9+$0x0] =	vst.idx.add.f32.msk $0x1, v1  }
0x63: {  	[tilespmem:v2+s9+$0x0] =	vst.idx.add.f32.msk vm0, v1  }
0x64: {  	[tilespmem:v2+s9+$0x0] =	vst.idx.add.f32.msk vm1, v1  }
0x65: {  	[tilespmem:v2+s9+$0x0] =	vst.idx.add.f32.msk vm2, v1  }
0x66: {  	[tilespmem:v2+s9+$0x0] =	vst.idx.add.f32.msk vm3, v1  }
0x67: {  	[tilespmem:v2+s9+$0x0] =	vst.idx.add.f32.msk vm4, v1  }
0x68: {  	[tilespmem:v2+s9+$0x0] =	vst.idx.add.f32.msk vm5, v1  }
0x69: {  	[tilespmem:v2+s9+$0x0] =	vst.idx.add.f32.msk vm6, v1  }
0x6a: {  	[tilespmem:v2+s9+$0x0] =	vst.idx.add.f32.msk vm7, v1  }
0x6b: {  	[tilespmem:v2+s9+$0x0] =	vst.idx.add.f32.msk vm8, v1  }
0x6c: {  	[tilespmem:v2+s9+$0x0] =	vst.idx.add.f32.msk vm9, v1  }
0x6d: {  	[tilespmem:v2+s9+$0x0] =	vst.idx.add.f32.msk vm10, v1  }
0x6e: {  	[tilespmem:v2+s9+$0x0] =	vst.idx.add.f32.msk vm11, v1  }
0x6f: {  	s10 =	sadd.s32 $0x1, s10;
	[tilespmem:v2+s9+$0x0] =	vst.idx.add.f32.msk vm12, v1  }
0x70: {  	p0 =	sne.s32 s10, s6;
	[tilespmem:v2+s9+$0x0] =	vst.idx.add.f32.msk vm13, v1  }
.Ltmp2:
0x71: {  	[tilespmem:v2+s9+$0x0] =	vst.idx.add.f32.msk vm14, v1;
	(pc) =	sbr.rel @p0 .LBB2_1-.Ltmp2, $4  }
0x72: {  	[hbm4b:s5+s2] =	stream.linear.scatter [tilespmem:s9], [sflag:$0x1], $0x10000, $0x38;
	[tilespmem:$0x10400] =	vst v63  }
0x73: {  	_ =	swait.ge [sflag:s7], $0x10000  }
0x74: {  	[sflag:s7] =	ssyncset.done $0x0  }
0x75: {  	[sflag:s7] =	ssyncadd.s32 $0xFFFF0000  }
0x76: {  	_ =	sfence.sel $0x180000  }
0x77: {  	[bflag:$0x0] =	sbarrier.arrive $0xFFFF  }
0x78: {  	p0 =	sne.s32 s1, $0x0;
	_ =	strace $0x90000047  }
0x79: {  	s0 =	sadd.s32 @!p0 $0x100000, s0;
	[bflag:$0x2] =	sbarrier.arrive $0xFFFF  }
0x7a: {  	[sflag:s0] =	ssyncadd.tile.s32 @!p0 $0x1;
	_ =	shalt  }
.Lfunc_end2:
_tile_overlayer_lowered:
.L_overlay_start_2:
0x7b: {  	(tag) =	ssettag $0x2  }
0x7c: {  	s0 =	rddreg [dreg:$0x0];
	s2 =	stileid.u32  }
0x7d: {  	s1 =	rddreg [dreg:$0x1];
	p0 =	sne.s32 s2, $0x0  }
0x7e: {  	s3 =	rddreg [dreg:$0x2];
	[bflag:$0x3] =	sbarrier.arrive $0xFFFF;
	s2 =	simm.s32 @!p0 $0x1C01  }
0x7f: {  	[timem:s3], [sflag:s2] =	dma.local @!p0 [hbm:s0], s1  }
0x80: {  	s0 =	simm.s32 @!p0 $0x1  }
0x81: {  	_ =	swait.ge @!p0 [sflag:s0], s1  }
0x82: {  	s1 =	ssub.s32 @!p0 $0x0, s1;
	[sflag:s0] =	ssyncset.done @!p0 $0x0  }
0x83: {  	[sflag:s0] =	ssyncadd.s32 @!p0 s1  }
0x84: {  	[bflag:$0x3] =	sbarrier.arrive $0xFFFF  }
0x85: {  	_ =	shalt  }

</sc_bundles>
